<compile_context>
chip_gen: v7x
topology: tpu7x:2x2x1
jax: 0.10.2.dev20260603
libtpu: 0.0.44.dev20260713+nightly
codegen_flags: <defaults>
</compile_context>

<pallas_src>
import functools

import jax
import jax.numpy as jnp
from jax import lax
from jax.experimental import pallas as pl
from jax.experimental.pallas import tpu as pltpu
from jax.experimental.pallas import tpu_sc as plsc

_N = 16384
_NC = 2
_NS = 16
_NW = _NC * _NS
_L = 16
_BPW = _N // _NW
_QG = 128
_NQ = _BPW // _QG


def _body(ti_hbm, labels_hbm, pt_hbm, out_hbm,
          ti_v, a_v, b_v, g_v, lab_v, out_v, sem, sem_i, sem_l):
    a_hbm = pt_hbm.at[0]
    b_hbm = pt_hbm.at[1]
    g_hbm = pt_hbm.at[2]
    cid = lax.axis_index("c")
    sid = lax.axis_index("s")
    wid = sid * _NC + cid
    base = wid * _BPW
    lbase = pl.multiple_of(lax.max(base - _L, 0), _L)

    icopies = [
        pltpu.async_copy(ti_hbm.at[pl.ds(base + q * _QG, _QG)], ti_v.at[q],
                         sem_i)
        for q in range(_NQ)
    ]
    lcopy = pltpu.async_copy(labels_hbm.at[pl.ds(lbase, _BPW + _L)], lab_v,
                             sem_l)
    gcopies = []
    for q in range(_NQ):
        icopies[q].wait()
        sl = pl.ds(q * _QG, _QG)
        gcopies.append([
            pltpu.async_copy(tab.at[ti_v.at[q]], dst.at[sl], sem)
            for tab, dst in ((a_hbm, a_v), (b_hbm, b_v), (g_hbm, g_v))
        ])
    lcopy.wait()

    lane = lax.iota(jnp.int32, _L)

    def _chunk(j, carry):
        off = pl.multiple_of(j * _L, _L)
        iv = lane + (base + off)
        imp = jnp.maximum(iv - 1, 0) - lbase
        impp = jnp.maximum(iv - 2, 0) - lbase
        mp = plsc.load_gather(lab_v, [imp])
        mpp = plsc.load_gather(lab_v, [impp])
        sl = pl.ds(off, _L)
        out_v[sl] = a_v[sl] * mp + b_v[sl] * mpp + g_v[sl]
        return carry

    cpq = _QG // _L
    for q in range(_NQ):
        for cp in gcopies[q]:
            cp.wait()
        lax.fori_loop(q * cpq, (q + 1) * cpq, _chunk, 0)

    pltpu.sync_copy(out_v, out_hbm.at[pl.ds(base, _BPW)])


@functools.partial(
    pl.kernel,
    mesh=plsc.VectorSubcoreMesh(core_axis_name="c", subcore_axis_name="s"),
    out_type=jax.ShapeDtypeStruct((_N,), jnp.float32),
    compiler_params=pltpu.CompilerParams(
        needs_layout_passes=False, use_tc_tiling_on_sc=False,
        disable_bounds_checks=True, disable_semaphore_checks=True,
        skip_device_barrier=True),
    scratch_types=[
        pltpu.VMEM((_NQ, _QG), jnp.int32),
        pltpu.VMEM((_BPW,), jnp.float32),
        pltpu.VMEM((_BPW,), jnp.float32),
        pltpu.VMEM((_BPW,), jnp.float32),
        pltpu.VMEM((_BPW + _L,), jnp.float32),
        pltpu.VMEM((_BPW,), jnp.float32),
        pltpu.SemaphoreType.DMA,
        pltpu.SemaphoreType.DMA,
        pltpu.SemaphoreType.DMA,
    ],
)
def _sc_predict(ti_hbm, labels_hbm, pt_hbm, out_hbm, *scratch):
    _body(ti_hbm, labels_hbm, pt_hbm, out_hbm, *scratch)


def kernel(train_indices, M_prev, M_prev_prev, labels, params):
    del M_prev, M_prev_prev
    return _sc_predict(train_indices.astype(jnp.int32), labels, params.T)

# --- scband reference (transcript-rebuilt; emitter-appended) ---
"""Pipeline reference for scband-metric-simulator2-35201551958461 (READ-ONLY COPY).

The authoritative reference and input builder live on the scoring server;
editing this copy changes nothing except your own understanding.
"""

import jax, jax.numpy as jnp
import numpy as np


def setup_inputs(seed: int = 0) -> dict:
    key = jax.random.key(seed)
    k1, k2, k3, k4, k5 = jax.random.split(key, 5)
    num_train_samples = 1000000
    N = 16384
    train_indices = jax.random.randint(k1, (N,), 0, num_train_samples, dtype=jnp.int64) if jax.config.read('jax_enable_x64') else jax.random.randint(k1, (N,), 0, num_train_samples, dtype=jnp.int32)
    M_prev = jax.random.normal(k2, (1,), dtype=jnp.float32)
    M_prev_prev = jax.random.normal(k3, (1,), dtype=jnp.float32)
    labels = jax.random.normal(k4, (N,), dtype=jnp.float32)
    params = jax.random.normal(k5, (num_train_samples, 3), dtype=jnp.float32)
    return {
        'train_indices': train_indices,
        'M_prev': M_prev,
        'M_prev_prev': M_prev_prev,
        'labels': labels,
        'params': params,
    }


def reference(train_indices, M_prev, M_prev_prev, labels, params):
    # Faithful vectorization of the python loop:
    #   index 0:  M_prev = labels[0],       M_prev_prev = labels[0]
    #   index 1:  M_prev = labels[0],       M_prev_prev = labels[0]
    #   index i>=2: M_prev = labels[i-1],   M_prev_prev = labels[i-2]
    N = labels.shape[0]
    idx = jnp.arange(N)
    mp = jnp.take(labels, jnp.maximum(idx - 1, 0))
    mpp = jnp.take(labels, jnp.maximum(idx - 2, 0))
    step_params = jnp.take(params, train_indices, axis=0)  # gather [N, 3]
    alpha = step_params[:, 0]
    beta = step_params[:, 1]
    gamma = step_params[:, 2]
    predicted_losses = alpha * mp + beta * mpp + gamma
    return predicted_losses

if __name__ == "__main__":
    import jax
    _d = setup_inputs()
    print(jax.jit(kernel)(*tuple(_d.values())))

</pallas_src>

<mosaic_0001>
#map = affine_map<(d0, d1) -> (0)>
#map1 = affine_map<(d0, d1) -> (0, 0)>
module attributes {stable_mosaic.version = 14 : i64} {
  func.func @_sc_predict(%arg0: i32, %arg1: i32, %arg2: memref<16384xi32, #tpu.memory_space<hbm>>, %arg3: memref<16384xf32, #tpu.memory_space<hbm>>, %arg4: memref<3x1000000xf32, #tpu.memory_space<hbm>>, %arg5: memref<16384xf32, #tpu.memory_space<hbm>>, %arg6: memref<4x128xi32, #tpu.memory_space<vmem>>, %arg7: memref<512xf32, #tpu.memory_space<vmem>>, %arg8: memref<512xf32, #tpu.memory_space<vmem>>, %arg9: memref<512xf32, #tpu.memory_space<vmem>>, %arg10: memref<528xf32, #tpu.memory_space<vmem>>, %arg11: memref<512xf32, #tpu.memory_space<vmem>>, %arg12: memref<!tpu.dma_semaphore, #tpu.memory_space<semaphore_mem>>, %arg13: memref<!tpu.dma_semaphore, #tpu.memory_space<semaphore_mem>>, %arg14: memref<!tpu.dma_semaphore, #tpu.memory_space<semaphore_mem>>) attributes {dimension_semantics = [#tpu.dimension_semantics<core_parallel>, #tpu.dimension_semantics<subcore_parallel>], iteration_bounds = array<i64: 2, 16>, scalar_prefetch = 0 : i64, scratch_operands = 9 : i64, tpu.core_type = #tpu.core_type<sc_vector_subcore>, window_params = [{transform_indices = #map}, {transform_indices = #map}, {transform_indices = #map1}, {transform_indices = #map}]} {
    %mul3A = arith.constant 2 : i32
    %mul3A_0 = arith.muli %arg1, %mul3A : i32
    %add3A = arith.addi %mul3A_0, %arg0 : i32
    %mul3A_1 = arith.constant 512 : i32
    %mul3A_2 = arith.muli %add3A, %mul3A_1 : i32
    %sub3A = arith.constant 16 : i32
    %sub3A_3 = arith.subi %mul3A_2, %sub3A : i32
    %max3A = arith.constant 0 : i32
    %max3A_4 = arith.maxsi %sub3A_3, %max3A : i32
    %multiple_of3A = tpu.assume_multiple %max3A_4, 16 : i32
    %add3A_5 = arith.constant 0 : i32
    %add3A_6 = arith.addi %mul3A_2, %add3A_5 : i32
    %dma_start3A = arith.constant 0 : i32
    %dma_start3A_7 = arith.constant 0 : i32
    %dma_start3A_8 = tpu.memref_slice %arg6[%dma_start3A, %dma_start3A_7] : memref<4x128xi32, #tpu.memory_space<vmem>> -> memref<1x128xi32, #tpu.memory_space<vmem>>
    %dma_start3A_9 = tpu.memref_squeeze %dma_start3A_8 : memref<1x128xi32, #tpu.memory_space<vmem>> -> memref<128xi32, #tpu.memory_space<vmem>>
    %dma_start3A_10 = tpu.memref_slice %arg2[%add3A_6] : memref<16384xi32, #tpu.memory_space<hbm>> -> memref<128xi32, #tpu.memory_space<hbm>>
    %dma_start3A_11 = arith.constant 0 : i32
    %dma_start3A_12 = tpu.memref_slice %arg6[%dma_start3A, %dma_start3A_11] : memref<4x128xi32, #tpu.memory_space<vmem>> -> memref<1x128xi32, #tpu.memory_space<vmem>>
    %dma_start3A_13 = tpu.memref_squeeze %dma_start3A_12 : memref<1x128xi32, #tpu.memory_space<vmem>> -> memref<128xi32, #tpu.memory_space<vmem>>
    %dma_start3A_14 = tpu.memref_slice %arg2[%add3A_6] : memref<16384xi32, #tpu.memory_space<hbm>> -> memref<128xi32, #tpu.memory_space<hbm>>
    tpu.enqueue_dma source(%dma_start3A_14 : memref<128xi32, #tpu.memory_space<hbm>>) target(%dma_start3A_13 : memref<128xi32, #tpu.memory_space<vmem>>) target_semaphore(%arg13 : memref<!tpu.dma_semaphore, #tpu.memory_space<semaphore_mem>>)
    %add3A_15 = arith.constant 128 : i32
    %add3A_16 = arith.addi %mul3A_2, %add3A_15 : i32
    %dma_start3A_17 = arith.constant 1 : i32
    %dma_start3A_18 = arith.constant 0 : i32
    %dma_start3A_19 = tpu.memref_slice %arg6[%dma_start3A_17, %dma_start3A_18] : memref<4x128xi32, #tpu.memory_space<vmem>> -> memref<1x128xi32, #tpu.memory_space<vmem>>
    %dma_start3A_20 = tpu.memref_squeeze %dma_start3A_19 : memref<1x128xi32, #tpu.memory_space<vmem>> -> memref<128xi32, #tpu.memory_space<vmem>>
    %dma_start3A_21 = tpu.memref_slice %arg2[%add3A_16] : memref<16384xi32, #tpu.memory_space<hbm>> -> memref<128xi32, #tpu.memory_space<hbm>>
    %dma_start3A_22 = arith.constant 0 : i32
    %dma_start3A_23 = tpu.memref_slice %arg6[%dma_start3A_17, %dma_start3A_22] : memref<4x128xi32, #tpu.memory_space<vmem>> -> memref<1x128xi32, #tpu.memory_space<vmem>>
    %dma_start3A_24 = tpu.memref_squeeze %dma_start3A_23 : memref<1x128xi32, #tpu.memory_space<vmem>> -> memref<128xi32, #tpu.memory_space<vmem>>
    %dma_start3A_25 = tpu.memref_slice %arg2[%add3A_16] : memref<16384xi32, #tpu.memory_space<hbm>> -> memref<128xi32, #tpu.memory_space<hbm>>
    tpu.enqueue_dma source(%dma_start3A_25 : memref<128xi32, #tpu.memory_space<hbm>>) target(%dma_start3A_24 : memref<128xi32, #tpu.memory_space<vmem>>) target_semaphore(%arg13 : memref<!tpu.dma_semaphore, #tpu.memory_space<semaphore_mem>>)
    %add3A_26 = arith.constant 256 : i32
    %add3A_27 = arith.addi %mul3A_2, %add3A_26 : i32
    %dma_start3A_28 = arith.constant 2 : i32
    %dma_start3A_29 = arith.constant 0 : i32
    %dma_start3A_30 = tpu.memref_slice %arg6[%dma_start3A_28, %dma_start3A_29] : memref<4x128xi32, #tpu.memory_space<vmem>> -> memref<1x128xi32, #tpu.memory_space<vmem>>
    %dma_start3A_31 = tpu.memref_squeeze %dma_start3A_30 : memref<1x128xi32, #tpu.memory_space<vmem>> -> memref<128xi32, #tpu.memory_space<vmem>>
    %dma_start3A_32 = tpu.memref_slice %arg2[%add3A_27] : memref<16384xi32, #tpu.memory_space<hbm>> -> memref<128xi32, #tpu.memory_space<hbm>>
    %dma_start3A_33 = arith.constant 0 : i32
    %dma_start3A_34 = tpu.memref_slice %arg6[%dma_start3A_28, %dma_start3A_33] : memref<4x128xi32, #tpu.memory_space<vmem>> -> memref<1x128xi32, #tpu.memory_space<vmem>>
    %dma_start3A_35 = tpu.memref_squeeze %dma_start3A_34 : memref<1x128xi32, #tpu.memory_space<vmem>> -> memref<128xi32, #tpu.memory_space<vmem>>
    %dma_start3A_36 = tpu.memref_slice %arg2[%add3A_27] : memref<16384xi32, #tpu.memory_space<hbm>> -> memref<128xi32, #tpu.memory_space<hbm>>
    tpu.enqueue_dma source(%dma_start3A_36 : memref<128xi32, #tpu.memory_space<hbm>>) target(%dma_start3A_35 : memref<128xi32, #tpu.memory_space<vmem>>) target_semaphore(%arg13 : memref<!tpu.dma_semaphore, #tpu.memory_space<semaphore_mem>>)
    %add3A_37 = arith.constant 384 : i32
    %add3A_38 = arith.addi %mul3A_2, %add3A_37 : i32
    %dma_start3A_39 = arith.constant 3 : i32
    %dma_start3A_40 = arith.constant 0 : i32
    %dma_start3A_41 = tpu.memref_slice %arg6[%dma_start3A_39, %dma_start3A_40] : memref<4x128xi32, #tpu.memory_space<vmem>> -> memref<1x128xi32, #tpu.memory_space<vmem>>
    %dma_start3A_42 = tpu.memref_squeeze %dma_start3A_41 : memref<1x128xi32, #tpu.memory_space<vmem>> -> memref<128xi32, #tpu.memory_space<vmem>>
    %dma_start3A_43 = tpu.memref_slice %arg2[%add3A_38] : memref<16384xi32, #tpu.memory_space<hbm>> -> memref<128xi32, #tpu.memory_space<hbm>>
    %dma_start3A_44 = arith.constant 0 : i32
    %dma_start3A_45 = tpu.memref_slice %arg6[%dma_start3A_39, %dma_start3A_44] : memref<4x128xi32, #tpu.memory_space<vmem>> -> memref<1x128xi32, #tpu.memory_space<vmem>>
    %dma_start3A_46 = tpu.memref_squeeze %dma_start3A_45 : memref<1x128xi32, #tpu.memory_space<vmem>> -> memref<128xi32, #tpu.memory_space<vmem>>
    %dma_start3A_47 = tpu.memref_slice %arg2[%add3A_38] : memref<16384xi32, #tpu.memory_space<hbm>> -> memref<128xi32, #tpu.memory_space<hbm>>
    tpu.enqueue_dma source(%dma_start3A_47 : memref<128xi32, #tpu.memory_space<hbm>>) target(%dma_start3A_46 : memref<128xi32, #tpu.memory_space<vmem>>) target_semaphore(%arg13 : memref<!tpu.dma_semaphore, #tpu.memory_space<semaphore_mem>>)
    %dma_start3A_48 = tpu.memref_slice %arg3[%multiple_of3A] : memref<16384xf32, #tpu.memory_space<hbm>> -> memref<528xf32, #tpu.memory_space<hbm>>
    %dma_start3A_49 = tpu.memref_slice %arg3[%multiple_of3A] : memref<16384xf32, #tpu.memory_space<hbm>> -> memref<528xf32, #tpu.memory_space<hbm>>
    tpu.enqueue_dma source(%dma_start3A_49 : memref<528xf32, #tpu.memory_space<hbm>>) target(%arg10 : memref<528xf32, #tpu.memory_space<vmem>>) target_semaphore(%arg14 : memref<!tpu.dma_semaphore, #tpu.memory_space<semaphore_mem>>)
    %dma_wait3A = arith.constant 0 : i32
    %dma_wait3A_50 = arith.constant 0 : i32
    %dma_wait3A_51 = tpu.memref_slice %arg6[%dma_wait3A, %dma_wait3A_50] : memref<4x128xi32, #tpu.memory_space<vmem>> -> memref<1x128xi32, #tpu.memory_space<vmem>>
    %dma_wait3A_52 = tpu.memref_squeeze %dma_wait3A_51 : memref<1x128xi32, #tpu.memory_space<vmem>> -> memref<128xi32, #tpu.memory_space<vmem>>
    %dma_wait3A_53 = tpu.memref_slice %arg2[%add3A_6] : memref<16384xi32, #tpu.memory_space<hbm>> -> memref<128xi32, #tpu.memory_space<hbm>>
    %dma_wait3A_54 = arith.constant 0 : i32
    %dma_wait3A_55 = tpu.memref_slice %arg6[%dma_wait3A, %dma_wait3A_54] : memref<4x128xi32, #tpu.memory_space<vmem>> -> memref<1x128xi32, #tpu.memory_space<vmem>>
    %dma_wait3A_56 = tpu.memref_squeeze %dma_wait3A_55 : memref<1x128xi32, #tpu.memory_space<vmem>> -> memref<128xi32, #tpu.memory_space<vmem>>
    %dma_wait3A_57 = tpu.memref_slice %arg2[%add3A_6] : memref<16384xi32, #tpu.memory_space<hbm>> -> memref<128xi32, #tpu.memory_space<hbm>>
    tpu.wait_dma2 semaphore(%arg13 : memref<!tpu.dma_semaphore, #tpu.memory_space<semaphore_mem>>) src(%dma_wait3A_57 : memref<128xi32, #tpu.memory_space<hbm>>) dst(%dma_wait3A_56 : memref<128xi32, #tpu.memory_space<vmem>>)
    %dma_start3A_58 = arith.constant 0 : i32
    %dma_start3A_59 = arith.constant 0 : i32
    %dma_start3A_60 = arith.constant 0 : i32
    %dma_start3A_61 = tpu.memref_slice %arg7[%dma_start3A_60] : memref<512xf32, #tpu.memory_space<vmem>> -> memref<128xf32, #tpu.memory_space<vmem>>
    %dma_start3A_62 = arith.constant 0 : i32
    %dma_start3A_63 = tpu.memref_slice %arg6[%dma_start3A_59, %dma_start3A_62] : memref<4x128xi32, #tpu.memory_space<vmem>> -> memref<1x128xi32, #tpu.memory_space<vmem>>
    %dma_start3A_64 = tpu.memref_squeeze %dma_start3A_63 : memref<1x128xi32, #tpu.memory_space<vmem>> -> memref<128xi32, #tpu.memory_space<vmem>>
    %dma_start3A_65 = arith.constant 0 : i32
    %dma_start3A_66 = tpu.memref_slice %arg4[%dma_start3A_58, %dma_start3A_65] : memref<3x1000000xf32, #tpu.memory_space<hbm>> -> memref<1x1000000xf32, #tpu.memory_space<hbm>>
    %dma_start3A_67 = tpu.memref_squeeze %dma_start3A_66 : memref<1x1000000xf32, #tpu.memory_space<hbm>> -> memref<1000000xf32, #tpu.memory_space<hbm>>
    %dma_start3A_68 = arith.constant 0 : i32
    %dma_start3A_69 = tpu.memref_slice %dma_start3A_67[%dma_start3A_68] : memref<1000000xf32, #tpu.memory_space<hbm>> -> memref<1000000xf32, #tpu.memory_space<hbm>>
    tpu.enqueue_indirect_dma source(%dma_start3A_69 : memref<1000000xf32, #tpu.memory_space<hbm>>) target(%dma_start3A_61 : memref<128xf32, #tpu.memory_space<vmem>>) offsets(%dma_start3A_64 : memref<128xi32, #tpu.memory_space<vmem>>) semaphore(%arg12 : memref<!tpu.dma_semaphore, #tpu.memory_space<semaphore_mem>>)
    %dma_start3A_70 = arith.constant 1 : i32
    %dma_start3A_71 = arith.constant 0 : i32
    %dma_start3A_72 = arith.constant 0 : i32
    %dma_start3A_73 = tpu.memref_slice %arg8[%dma_start3A_72] : memref<512xf32, #tpu.memory_space<vmem>> -> memref<128xf32, #tpu.memory_space<vmem>>
    %dma_start3A_74 = arith.constant 0 : i32
    %dma_start3A_75 = tpu.memref_slice %arg6[%dma_start3A_71, %dma_start3A_74] : memref<4x128xi32, #tpu.memory_space<vmem>> -> memref<1x128xi32, #tpu.memory_space<vmem>>
    %dma_start3A_76 = tpu.memref_squeeze %dma_start3A_75 : memref<1x128xi32, #tpu.memory_space<vmem>> -> memref<128xi32, #tpu.memory_space<vmem>>
    %dma_start3A_77 = arith.constant 0 : i32
    %dma_start3A_78 = tpu.memref_slice %arg4[%dma_start3A_70, %dma_start3A_77] : memref<3x1000000xf32, #tpu.memory_space<hbm>> -> memref<1x1000000xf32, #tpu.memory_space<hbm>>
    %dma_start3A_79 = tpu.memref_squeeze %dma_start3A_78 : memref<1x1000000xf32, #tpu.memory_space<hbm>> -> memref<1000000xf32, #tpu.memory_space<hbm>>
    %dma_start3A_80 = arith.constant 0 : i32
    %dma_start3A_81 = tpu.memref_slice %dma_start3A_79[%dma_start3A_80] : memref<1000000xf32, #tpu.memory_space<hbm>> -> memref<1000000xf32, #tpu.memory_space<hbm>>
    tpu.enqueue_indirect_dma source(%dma_start3A_81 : memref<1000000xf32, #tpu.memory_space<hbm>>) target(%dma_start3A_73 : memref<128xf32, #tpu.memory_space<vmem>>) offsets(%dma_start3A_76 : memref<128xi32, #tpu.memory_space<vmem>>) semaphore(%arg12 : memref<!tpu.dma_semaphore, #tpu.memory_space<semaphore_mem>>)
    %dma_start3A_82 = arith.constant 2 : i32
    %dma_start3A_83 = arith.constant 0 : i32
    %dma_start3A_84 = arith.constant 0 : i32
    %dma_start3A_85 = tpu.memref_slice %arg9[%dma_start3A_84] : memref<512xf32, #tpu.memory_space<vmem>> -> memref<128xf32, #tpu.memory_space<vmem>>
    %dma_start3A_86 = arith.constant 0 : i32
    %dma_start3A_87 = tpu.memref_slice %arg6[%dma_start3A_83, %dma_start3A_86] : memref<4x128xi32, #tpu.memory_space<vmem>> -> memref<1x128xi32, #tpu.memory_space<vmem>>
    %dma_start3A_88 = tpu.memref_squeeze %dma_start3A_87 : memref<1x128xi32, #tpu.memory_space<vmem>> -> memref<128xi32, #tpu.memory_space<vmem>>
    %dma_start3A_89 = arith.constant 0 : i32
    %dma_start3A_90 = tpu.memref_slice %arg4[%dma_start3A_82, %dma_start3A_89] : memref<3x1000000xf32, #tpu.memory_space<hbm>> -> memref<1x1000000xf32, #tpu.memory_space<hbm>>
    %dma_start3A_91 = tpu.memref_squeeze %dma_start3A_90 : memref<1x1000000xf32, #tpu.memory_space<hbm>> -> memref<1000000xf32, #tpu.memory_space<hbm>>
    %dma_start3A_92 = arith.constant 0 : i32
    %dma_start3A_93 = tpu.memref_slice %dma_start3A_91[%dma_start3A_92] : memref<1000000xf32, #tpu.memory_space<hbm>> -> memref<1000000xf32, #tpu.memory_space<hbm>>
    tpu.enqueue_indirect_dma source(%dma_start3A_93 : memref<1000000xf32, #tpu.memory_space<hbm>>) target(%dma_start3A_85 : memref<128xf32, #tpu.memory_space<vmem>>) offsets(%dma_start3A_88 : memref<128xi32, #tpu.memory_space<vmem>>) semaphore(%arg12 : memref<!tpu.dma_semaphore, #tpu.memory_space<semaphore_mem>>)
    %dma_wait3A_94 = arith.constant 1 : i32
    %dma_wait3A_95 = arith.constant 0 : i32
    %dma_wait3A_96 = tpu.memref_slice %arg6[%dma_wait3A_94, %dma_wait3A_95] : memref<4x128xi32, #tpu.memory_space<vmem>> -> memref<1x128xi32, #tpu.memory_space<vmem>>
    %dma_wait3A_97 = tpu.memref_squeeze %dma_wait3A_96 : memref<1x128xi32, #tpu.memory_space<vmem>> -> memref<128xi32, #tpu.memory_space<vmem>>
    %dma_wait3A_98 = tpu.memref_slice %arg2[%add3A_16] : memref<16384xi32, #tpu.memory_space<hbm>> -> memref<128xi32, #tpu.memory_space<hbm>>
    %dma_wait3A_99 = arith.constant 0 : i32
    %dma_wait3A_100 = tpu.memref_slice %arg6[%dma_wait3A_94, %dma_wait3A_99] : memref<4x128xi32, #tpu.memory_space<vmem>> -> memref<1x128xi32, #tpu.memory_space<vmem>>
    %dma_wait3A_101 = tpu.memref_squeeze %dma_wait3A_100 : memref<1x128xi32, #tpu.memory_space<vmem>> -> memref<128xi32, #tpu.memory_space<vmem>>
    %dma_wait3A_102 = tpu.memref_slice %arg2[%add3A_16] : memref<16384xi32, #tpu.memory_space<hbm>> -> memref<128xi32, #tpu.memory_space<hbm>>
    tpu.wait_dma2 semaphore(%arg13 : memref<!tpu.dma_semaphore, #tpu.memory_space<semaphore_mem>>) src(%dma_wait3A_102 : memref<128xi32, #tpu.memory_space<hbm>>) dst(%dma_wait3A_101 : memref<128xi32, #tpu.memory_space<vmem>>)
    %dma_start3A_103 = arith.constant 0 : i32
    %dma_start3A_104 = arith.constant 1 : i32
    %dma_start3A_105 = arith.constant 128 : i32
    %dma_start3A_106 = tpu.memref_slice %arg7[%dma_start3A_105] : memref<512xf32, #tpu.memory_space<vmem>> -> memref<128xf32, #tpu.memory_space<vmem>>
    %dma_start3A_107 = arith.constant 0 : i32
    %dma_start3A_108 = tpu.memref_slice %arg6[%dma_start3A_104, %dma_start3A_107] : memref<4x128xi32, #tpu.memory_space<vmem>> -> memref<1x128xi32, #tpu.memory_space<vmem>>
    %dma_start3A_109 = tpu.memref_squeeze %dma_start3A_108 : memref<1x128xi32, #tpu.memory_space<vmem>> -> memref<128xi32, #tpu.memory_space<vmem>>
    %dma_start3A_110 = arith.constant 0 : i32
    %dma_start3A_111 = tpu.memref_slice %arg4[%dma_start3A_103, %dma_start3A_110] : memref<3x1000000xf32, #tpu.memory_space<hbm>> -> memref<1x1000000xf32, #tpu.memory_space<hbm>>
    %dma_start3A_112 = tpu.memref_squeeze %dma_start3A_111 : memref<1x1000000xf32, #tpu.memory_space<hbm>> -> memref<1000000xf32, #tpu.memory_space<hbm>>
    %dma_start3A_113 = arith.constant 0 : i32
    %dma_start3A_114 = tpu.memref_slice %dma_start3A_112[%dma_start3A_113] : memref<1000000xf32, #tpu.memory_space<hbm>> -> memref<1000000xf32, #tpu.memory_space<hbm>>
    tpu.enqueue_indirect_dma source(%dma_start3A_114 : memref<1000000xf32, #tpu.memory_space<hbm>>) target(%dma_start3A_106 : memref<128xf32, #tpu.memory_space<vmem>>) offsets(%dma_start3A_109 : memref<128xi32, #tpu.memory_space<vmem>>) semaphore(%arg12 : memref<!tpu.dma_semaphore, #tpu.memory_space<semaphore_mem>>)
    %dma_start3A_115 = arith.constant 1 : i32
    %dma_start3A_116 = arith.constant 1 : i32
    %dma_start3A_117 = arith.constant 128 : i32
    %dma_start3A_118 = tpu.memref_slice %arg8[%dma_start3A_117] : memref<512xf32, #tpu.memory_space<vmem>> -> memref<128xf32, #tpu.memory_space<vmem>>
    %dma_start3A_119 = arith.constant 0 : i32
    %dma_start3A_120 = tpu.memref_slice %arg6[%dma_start3A_116, %dma_start3A_119] : memref<4x128xi32, #tpu.memory_space<vmem>> -> memref<1x128xi32, #tpu.memory_space<vmem>>
    %dma_start3A_121 = tpu.memref_squeeze %dma_start3A_120 : memref<1x128xi32, #tpu.memory_space<vmem>> -> memref<128xi32, #tpu.memory_space<vmem>>
    %dma_start3A_122 = arith.constant 0 : i32
    %dma_start3A_123 = tpu.memref_slice %arg4[%dma_start3A_115, %dma_start3A_122] : memref<3x1000000xf32, #tpu.memory_space<hbm>> -> memref<1x1000000xf32, #tpu.memory_space<hbm>>
    %dma_start3A_124 = tpu.memref_squeeze %dma_start3A_123 : memref<1x1000000xf32, #tpu.memory_space<hbm>> -> memref<1000000xf32, #tpu.memory_space<hbm>>
    %dma_start3A_125 = arith.constant 0 : i32
    %dma_start3A_126 = tpu.memref_slice %dma_start3A_124[%dma_start3A_125] : memref<1000000xf32, #tpu.memory_space<hbm>> -> memref<1000000xf32, #tpu.memory_space<hbm>>
    tpu.enqueue_indirect_dma source(%dma_start3A_126 : memref<1000000xf32, #tpu.memory_space<hbm>>) target(%dma_start3A_118 : memref<128xf32, #tpu.memory_space<vmem>>) offsets(%dma_start3A_121 : memref<128xi32, #tpu.memory_space<vmem>>) semaphore(%arg12 : memref<!tpu.dma_semaphore, #tpu.memory_space<semaphore_mem>>)
    %dma_start3A_127 = arith.constant 2 : i32
    %dma_start3A_128 = arith.constant 1 : i32
    %dma_start3A_129 = arith.constant 128 : i32
    %dma_start3A_130 = tpu.memref_slice %arg9[%dma_start3A_129] : memref<512xf32, #tpu.memory_space<vmem>> -> memref<128xf32, #tpu.memory_space<vmem>>
    %dma_start3A_131 = arith.constant 0 : i32
    %dma_start3A_132 = tpu.memref_slice %arg6[%dma_start3A_128, %dma_start3A_131] : memref<4x128xi32, #tpu.memory_space<vmem>> -> memref<1x128xi32, #tpu.memory_space<vmem>>
    %dma_start3A_133 = tpu.memref_squeeze %dma_start3A_132 : memref<1x128xi32, #tpu.memory_space<vmem>> -> memref<128xi32, #tpu.memory_space<vmem>>
    %dma_start3A_134 = arith.constant 0 : i32
    %dma_start3A_135 = tpu.memref_slice %arg4[%dma_start3A_127, %dma_start3A_134] : memref<3x1000000xf32, #tpu.memory_space<hbm>> -> memref<1x1000000xf32, #tpu.memory_space<hbm>>
    %dma_start3A_136 = tpu.memref_squeeze %dma_start3A_135 : memref<1x1000000xf32, #tpu.memory_space<hbm>> -> memref<1000000xf32, #tpu.memory_space<hbm>>
    %dma_start3A_137 = arith.constant 0 : i32
    %dma_start3A_138 = tpu.memref_slice %dma_start3A_136[%dma_start3A_137] : memref<1000000xf32, #tpu.memory_space<hbm>> -> memref<1000000xf32, #tpu.memory_space<hbm>>
    tpu.enqueue_indirect_dma source(%dma_start3A_138 : memref<1000000xf32, #tpu.memory_space<hbm>>) target(%dma_start3A_130 : memref<128xf32, #tpu.memory_space<vmem>>) offsets(%dma_start3A_133 : memref<128xi32, #tpu.memory_space<vmem>>) semaphore(%arg12 : memref<!tpu.dma_semaphore, #tpu.memory_space<semaphore_mem>>)
    %dma_wait3A_139 = arith.constant 2 : i32
    %dma_wait3A_140 = arith.constant 0 : i32
    %dma_wait3A_141 = tpu.memref_slice %arg6[%dma_wait3A_139, %dma_wait3A_140] : memref<4x128xi32, #tpu.memory_space<vmem>> -> memref<1x128xi32, #tpu.memory_space<vmem>>
    %dma_wait3A_142 = tpu.memref_squeeze %dma_wait3A_141 : memref<1x128xi32, #tpu.memory_space<vmem>> -> memref<128xi32, #tpu.memory_space<vmem>>
    %dma_wait3A_143 = tpu.memref_slice %arg2[%add3A_27] : memref<16384xi32, #tpu.memory_space<hbm>> -> memref<128xi32, #tpu.memory_space<hbm>>
    %dma_wait3A_144 = arith.constant 0 : i32
    %dma_wait3A_145 = tpu.memref_slice %arg6[%dma_wait3A_139, %dma_wait3A_144] : memref<4x128xi32, #tpu.memory_space<vmem>> -> memref<1x128xi32, #tpu.memory_space<vmem>>
    %dma_wait3A_146 = tpu.memref_squeeze %dma_wait3A_145 : memref<1x128xi32, #tpu.memory_space<vmem>> -> memref<128xi32, #tpu.memory_space<vmem>>
    %dma_wait3A_147 = tpu.memref_slice %arg2[%add3A_27] : memref<16384xi32, #tpu.memory_space<hbm>> -> memref<128xi32, #tpu.memory_space<hbm>>
    tpu.wait_dma2 semaphore(%arg13 : memref<!tpu.dma_semaphore, #tpu.memory_space<semaphore_mem>>) src(%dma_wait3A_147 : memref<128xi32, #tpu.memory_space<hbm>>) dst(%dma_wait3A_146 : memref<128xi32, #tpu.memory_space<vmem>>)
    %dma_start3A_148 = arith.constant 0 : i32
    %dma_start3A_149 = arith.constant 2 : i32
    %dma_start3A_150 = arith.constant 256 : i32
    %dma_start3A_151 = tpu.memref_slice %arg7[%dma_start3A_150] : memref<512xf32, #tpu.memory_space<vmem>> -> memref<128xf32, #tpu.memory_space<vmem>>
    %dma_start3A_152 = arith.constant 0 : i32
    %dma_start3A_153 = tpu.memref_slice %arg6[%dma_start3A_149, %dma_start3A_152] : memref<4x128xi32, #tpu.memory_space<vmem>> -> memref<1x128xi32, #tpu.memory_space<vmem>>
    %dma_start3A_154 = tpu.memref_squeeze %dma_start3A_153 : memref<1x128xi32, #tpu.memory_space<vmem>> -> memref<128xi32, #tpu.memory_space<vmem>>
    %dma_start3A_155 = arith.constant 0 : i32
    %dma_start3A_156 = tpu.memref_slice %arg4[%dma_start3A_148, %dma_start3A_155] : memref<3x1000000xf32, #tpu.memory_space<hbm>> -> memref<1x1000000xf32, #tpu.memory_space<hbm>>
    %dma_start3A_157 = tpu.memref_squeeze %dma_start3A_156 : memref<1x1000000xf32, #tpu.memory_space<hbm>> -> memref<1000000xf32, #tpu.memory_space<hbm>>
    %dma_start3A_158 = arith.constant 0 : i32
    %dma_start3A_159 = tpu.memref_slice %dma_start3A_157[%dma_start3A_158] : memref<1000000xf32, #tpu.memory_space<hbm>> -> memref<1000000xf32, #tpu.memory_space<hbm>>
    tpu.enqueue_indirect_dma source(%dma_start3A_159 : memref<1000000xf32, #tpu.memory_space<hbm>>) target(%dma_start3A_151 : memref<128xf32, #tpu.memory_space<vmem>>) offsets(%dma_start3A_154 : memref<128xi32, #tpu.memory_space<vmem>>) semaphore(%arg12 : memref<!tpu.dma_semaphore, #tpu.memory_space<semaphore_mem>>)
    %dma_start3A_160 = arith.constant 1 : i32
    %dma_start3A_161 = arith.constant 2 : i32
    %dma_start3A_162 = arith.constant 256 : i32
    %dma_start3A_163 = tpu.memref_slice %arg8[%dma_start3A_162] : memref<512xf32, #tpu.memory_space<vmem>> -> memref<128xf32, #tpu.memory_space<vmem>>
    %dma_start3A_164 = arith.constant 0 : i32
    %dma_start3A_165 = tpu.memref_slice %arg6[%dma_start3A_161, %dma_start3A_164] : memref<4x128xi32, #tpu.memory_space<vmem>> -> memref<1x128xi32, #tpu.memory_space<vmem>>
    %dma_start3A_166 = tpu.memref_squeeze %dma_start3A_165 : memref<1x128xi32, #tpu.memory_space<vmem>> -> memref<128xi32, #tpu.memory_space<vmem>>
    %dma_start3A_167 = arith.constant 0 : i32
    %dma_start3A_168 = tpu.memref_slice %arg4[%dma_start3A_160, %dma_start3A_167] : memref<3x1000000xf32, #tpu.memory_space<hbm>> -> memref<1x1000000xf32, #tpu.memory_space<hbm>>
    %dma_start3A_169 = tpu.memref_squeeze %dma_start3A_168 : memref<1x1000000xf32, #tpu.memory_space<hbm>> -> memref<1000000xf32, #tpu.memory_space<hbm>>
    %dma_start3A_170 = arith.constant 0 : i32
    %dma_start3A_171 = tpu.memref_slice %dma_start3A_169[%dma_start3A_170] : memref<1000000xf32, #tpu.memory_space<hbm>> -> memref<1000000xf32, #tpu.memory_space<hbm>>
    tpu.enqueue_indirect_dma source(%dma_start3A_171 : memref<1000000xf32, #tpu.memory_space<hbm>>) target(%dma_start3A_163 : memref<128xf32, #tpu.memory_space<vmem>>) offsets(%dma_start3A_166 : memref<128xi32, #tpu.memory_space<vmem>>) semaphore(%arg12 : memref<!tpu.dma_semaphore, #tpu.memory_space<semaphore_mem>>)
    %dma_start3A_172 = arith.constant 2 : i32
    %dma_start3A_173 = arith.constant 2 : i32
    %dma_start3A_174 = arith.constant 256 : i32
    %dma_start3A_175 = tpu.memref_slice %arg9[%dma_start3A_174] : memref<512xf32, #tpu.memory_space<vmem>> -> memref<128xf32, #tpu.memory_space<vmem>>
    %dma_start3A_176 = arith.constant 0 : i32
    %dma_start3A_177 = tpu.memref_slice %arg6[%dma_start3A_173, %dma_start3A_176] : memref<4x128xi32, #tpu.memory_space<vmem>> -> memref<1x128xi32, #tpu.memory_space<vmem>>
    %dma_start3A_178 = tpu.memref_squeeze %dma_start3A_177 : memref<1x128xi32, #tpu.memory_space<vmem>> -> memref<128xi32, #tpu.memory_space<vmem>>
    %dma_start3A_179 = arith.constant 0 : i32
    %dma_start3A_180 = tpu.memref_slice %arg4[%dma_start3A_172, %dma_start3A_179] : memref<3x1000000xf32, #tpu.memory_space<hbm>> -> memref<1x1000000xf32, #tpu.memory_space<hbm>>
    %dma_start3A_181 = tpu.memref_squeeze %dma_start3A_180 : memref<1x1000000xf32, #tpu.memory_space<hbm>> -> memref<1000000xf32, #tpu.memory_space<hbm>>
    %dma_start3A_182 = arith.constant 0 : i32
    %dma_start3A_183 = tpu.memref_slice %dma_start3A_181[%dma_start3A_182] : memref<1000000xf32, #tpu.memory_space<hbm>> -> memref<1000000xf32, #tpu.memory_space<hbm>>
    tpu.enqueue_indirect_dma source(%dma_start3A_183 : memref<1000000xf32, #tpu.memory_space<hbm>>) target(%dma_start3A_175 : memref<128xf32, #tpu.memory_space<vmem>>) offsets(%dma_start3A_178 : memref<128xi32, #tpu.memory_space<vmem>>) semaphore(%arg12 : memref<!tpu.dma_semaphore, #tpu.memory_space<semaphore_mem>>)
    %dma_wait3A_184 = arith.constant 3 : i32
    %dma_wait3A_185 = arith.constant 0 : i32
    %dma_wait3A_186 = tpu.memref_slice %arg6[%dma_wait3A_184, %dma_wait3A_185] : memref<4x128xi32, #tpu.memory_space<vmem>> -> memref<1x128xi32, #tpu.memory_space<vmem>>
    %dma_wait3A_187 = tpu.memref_squeeze %dma_wait3A_186 : memref<1x128xi32, #tpu.memory_space<vmem>> -> memref<128xi32, #tpu.memory_space<vmem>>
    %dma_wait3A_188 = tpu.memref_slice %arg2[%add3A_38] : memref<16384xi32, #tpu.memory_space<hbm>> -> memref<128xi32, #tpu.memory_space<hbm>>
    %dma_wait3A_189 = arith.constant 0 : i32
    %dma_wait3A_190 = tpu.memref_slice %arg6[%dma_wait3A_184, %dma_wait3A_189] : memref<4x128xi32, #tpu.memory_space<vmem>> -> memref<1x128xi32, #tpu.memory_space<vmem>>
    %dma_wait3A_191 = tpu.memref_squeeze %dma_wait3A_190 : memref<1x128xi32, #tpu.memory_space<vmem>> -> memref<128xi32, #tpu.memory_space<vmem>>
    %dma_wait3A_192 = tpu.memref_slice %arg2[%add3A_38] : memref<16384xi32, #tpu.memory_space<hbm>> -> memref<128xi32, #tpu.memory_space<hbm>>
    tpu.wait_dma2 semaphore(%arg13 : memref<!tpu.dma_semaphore, #tpu.memory_space<semaphore_mem>>) src(%dma_wait3A_192 : memref<128xi32, #tpu.memory_space<hbm>>) dst(%dma_wait3A_191 : memref<128xi32, #tpu.memory_space<vmem>>)
    %dma_start3A_193 = arith.constant 0 : i32
    %dma_start3A_194 = arith.constant 3 : i32
    %dma_start3A_195 = arith.constant 384 : i32
    %dma_start3A_196 = tpu.memref_slice %arg7[%dma_start3A_195] : memref<512xf32, #tpu.memory_space<vmem>> -> memref<128xf32, #tpu.memory_space<vmem>>
    %dma_start3A_197 = arith.constant 0 : i32
    %dma_start3A_198 = tpu.memref_slice %arg6[%dma_start3A_194, %dma_start3A_197] : memref<4x128xi32, #tpu.memory_space<vmem>> -> memref<1x128xi32, #tpu.memory_space<vmem>>
    %dma_start3A_199 = tpu.memref_squeeze %dma_start3A_198 : memref<1x128xi32, #tpu.memory_space<vmem>> -> memref<128xi32, #tpu.memory_space<vmem>>
    %dma_start3A_200 = arith.constant 0 : i32
    %dma_start3A_201 = tpu.memref_slice %arg4[%dma_start3A_193, %dma_start3A_200] : memref<3x1000000xf32, #tpu.memory_space<hbm>> -> memref<1x1000000xf32, #tpu.memory_space<hbm>>
    %dma_start3A_202 = tpu.memref_squeeze %dma_start3A_201 : memref<1x1000000xf32, #tpu.memory_space<hbm>> -> memref<1000000xf32, #tpu.memory_space<hbm>>
    %dma_start3A_203 = arith.constant 0 : i32
    %dma_start3A_204 = tpu.memref_slice %dma_start3A_202[%dma_start3A_203] : memref<1000000xf32, #tpu.memory_space<hbm>> -> memref<1000000xf32, #tpu.memory_space<hbm>>
    tpu.enqueue_indirect_dma source(%dma_start3A_204 : memref<1000000xf32, #tpu.memory_space<hbm>>) target(%dma_start3A_196 : memref<128xf32, #tpu.memory_space<vmem>>) offsets(%dma_start3A_199 : memref<128xi32, #tpu.memory_space<vmem>>) semaphore(%arg12 : memref<!tpu.dma_semaphore, #tpu.memory_space<semaphore_mem>>)
    %dma_start3A_205 = arith.constant 1 : i32
    %dma_start3A_206 = arith.constant 3 : i32
    %dma_start3A_207 = arith.constant 384 : i32
    %dma_start3A_208 = tpu.memref_slice %arg8[%dma_start3A_207] : memref<512xf32, #tpu.memory_space<vmem>> -> memref<128xf32, #tpu.memory_space<vmem>>
    %dma_start3A_209 = arith.constant 0 : i32
    %dma_start3A_210 = tpu.memref_slice %arg6[%dma_start3A_206, %dma_start3A_209] : memref<4x128xi32, #tpu.memory_space<vmem>> -> memref<1x128xi32, #tpu.memory_space<vmem>>
    %dma_start3A_211 = tpu.memref_squeeze %dma_start3A_210 : memref<1x128xi32, #tpu.memory_space<vmem>> -> memref<128xi32, #tpu.memory_space<vmem>>
    %dma_start3A_212 = arith.constant 0 : i32
    %dma_start3A_213 = tpu.memref_slice %arg4[%dma_start3A_205, %dma_start3A_212] : memref<3x1000000xf32, #tpu.memory_space<hbm>> -> memref<1x1000000xf32, #tpu.memory_space<hbm>>
    %dma_start3A_214 = tpu.memref_squeeze %dma_start3A_213 : memref<1x1000000xf32, #tpu.memory_space<hbm>> -> memref<1000000xf32, #tpu.memory_space<hbm>>
    %dma_start3A_215 = arith.constant 0 : i32
    %dma_start3A_216 = tpu.memref_slice %dma_start3A_214[%dma_start3A_215] : memref<1000000xf32, #tpu.memory_space<hbm>> -> memref<1000000xf32, #tpu.memory_space<hbm>>
    tpu.enqueue_indirect_dma source(%dma_start3A_216 : memref<1000000xf32, #tpu.memory_space<hbm>>) target(%dma_start3A_208 : memref<128xf32, #tpu.memory_space<vmem>>) offsets(%dma_start3A_211 : memref<128xi32, #tpu.memory_space<vmem>>) semaphore(%arg12 : memref<!tpu.dma_semaphore, #tpu.memory_space<semaphore_mem>>)
    %dma_start3A_217 = arith.constant 2 : i32
    %dma_start3A_218 = arith.constant 3 : i32
    %dma_start3A_219 = arith.constant 384 : i32
    %dma_start3A_220 = tpu.memref_slice %arg9[%dma_start3A_219] : memref<512xf32, #tpu.memory_space<vmem>> -> memref<128xf32, #tpu.memory_space<vmem>>
    %dma_start3A_221 = arith.constant 0 : i32
    %dma_start3A_222 = tpu.memref_slice %arg6[%dma_start3A_218, %dma_start3A_221] : memref<4x128xi32, #tpu.memory_space<vmem>> -> memref<1x128xi32, #tpu.memory_space<vmem>>
    %dma_start3A_223 = tpu.memref_squeeze %dma_start3A_222 : memref<1x128xi32, #tpu.memory_space<vmem>> -> memref<128xi32, #tpu.memory_space<vmem>>
    %dma_start3A_224 = arith.constant 0 : i32
    %dma_start3A_225 = tpu.memref_slice %arg4[%dma_start3A_217, %dma_start3A_224] : memref<3x1000000xf32, #tpu.memory_space<hbm>> -> memref<1x1000000xf32, #tpu.memory_space<hbm>>
    %dma_start3A_226 = tpu.memref_squeeze %dma_start3A_225 : memref<1x1000000xf32, #tpu.memory_space<hbm>> -> memref<1000000xf32, #tpu.memory_space<hbm>>
    %dma_start3A_227 = arith.constant 0 : i32
    %dma_start3A_228 = tpu.memref_slice %dma_start3A_226[%dma_start3A_227] : memref<1000000xf32, #tpu.memory_space<hbm>> -> memref<1000000xf32, #tpu.memory_space<hbm>>
    tpu.enqueue_indirect_dma source(%dma_start3A_228 : memref<1000000xf32, #tpu.memory_space<hbm>>) target(%dma_start3A_220 : memref<128xf32, #tpu.memory_space<vmem>>) offsets(%dma_start3A_223 : memref<128xi32, #tpu.memory_space<vmem>>) semaphore(%arg12 : memref<!tpu.dma_semaphore, #tpu.memory_space<semaphore_mem>>)
    %dma_wait3A_229 = tpu.memref_slice %arg3[%multiple_of3A] : memref<16384xf32, #tpu.memory_space<hbm>> -> memref<528xf32, #tpu.memory_space<hbm>>
    %dma_wait3A_230 = tpu.memref_slice %arg3[%multiple_of3A] : memref<16384xf32, #tpu.memory_space<hbm>> -> memref<528xf32, #tpu.memory_space<hbm>>
    tpu.wait_dma2 semaphore(%arg14 : memref<!tpu.dma_semaphore, #tpu.memory_space<semaphore_mem>>) src(%dma_wait3A_230 : memref<528xf32, #tpu.memory_space<hbm>>) dst(%arg10 : memref<528xf32, #tpu.memory_space<vmem>>)
    %iota3A = tpu.iota {dimensions = array<i32: 0>} : vector<16xi32>
    %dma_wait3A_231 = arith.constant 0 : i32
    %dma_wait3A_232 = arith.constant 0 : i32
    %dma_wait3A_233 = arith.constant 0 : i32
    %dma_wait3A_234 = tpu.memref_slice %arg7[%dma_wait3A_233] : memref<512xf32, #tpu.memory_space<vmem>> -> memref<128xf32, #tpu.memory_space<vmem>>
    %dma_wait3A_235 = arith.constant 0 : i32
    %dma_wait3A_236 = tpu.memref_slice %arg6[%dma_wait3A_232, %dma_wait3A_235] : memref<4x128xi32, #tpu.memory_space<vmem>> -> memref<1x128xi32, #tpu.memory_space<vmem>>
    %dma_wait3A_237 = tpu.memref_squeeze %dma_wait3A_236 : memref<1x128xi32, #tpu.memory_space<vmem>> -> memref<128xi32, #tpu.memory_space<vmem>>
    %dma_wait3A_238 = arith.constant 0 : i32
    %dma_wait3A_239 = tpu.memref_slice %arg4[%dma_wait3A_231, %dma_wait3A_238] : memref<3x1000000xf32, #tpu.memory_space<hbm>> -> memref<1x1000000xf32, #tpu.memory_space<hbm>>
    %dma_wait3A_240 = tpu.memref_squeeze %dma_wait3A_239 : memref<1x1000000xf32, #tpu.memory_space<hbm>> -> memref<1000000xf32, #tpu.memory_space<hbm>>
    %dma_wait3A_241 = arith.constant 0 : i32
    %dma_wait3A_242 = tpu.memref_slice %dma_wait3A_240[%dma_wait3A_241] : memref<1000000xf32, #tpu.memory_space<hbm>> -> memref<1000000xf32, #tpu.memory_space<hbm>>
    tpu.wait_indirect_dma semaphore(%arg12 : memref<!tpu.dma_semaphore, #tpu.memory_space<semaphore_mem>>) src(%dma_wait3A_242 : memref<1000000xf32, #tpu.memory_space<hbm>>) dst(%dma_wait3A_234 : memref<128xf32, #tpu.memory_space<vmem>>)
    %dma_wait3A_243 = arith.constant 1 : i32
    %dma_wait3A_244 = arith.constant 0 : i32
    %dma_wait3A_245 = arith.constant 0 : i32
    %dma_wait3A_246 = tpu.memref_slice %arg8[%dma_wait3A_245] : memref<512xf32, #tpu.memory_space<vmem>> -> memref<128xf32, #tpu.memory_space<vmem>>
    %dma_wait3A_247 = arith.constant 0 : i32
    %dma_wait3A_248 = tpu.memref_slice %arg6[%dma_wait3A_244, %dma_wait3A_247] : memref<4x128xi32, #tpu.memory_space<vmem>> -> memref<1x128xi32, #tpu.memory_space<vmem>>
    %dma_wait3A_249 = tpu.memref_squeeze %dma_wait3A_248 : memref<1x128xi32, #tpu.memory_space<vmem>> -> memref<128xi32, #tpu.memory_space<vmem>>
    %dma_wait3A_250 = arith.constant 0 : i32
    %dma_wait3A_251 = tpu.memref_slice %arg4[%dma_wait3A_243, %dma_wait3A_250] : memref<3x1000000xf32, #tpu.memory_space<hbm>> -> memref<1x1000000xf32, #tpu.memory_space<hbm>>
    %dma_wait3A_252 = tpu.memref_squeeze %dma_wait3A_251 : memref<1x1000000xf32, #tpu.memory_space<hbm>> -> memref<1000000xf32, #tpu.memory_space<hbm>>
    %dma_wait3A_253 = arith.constant 0 : i32
    %dma_wait3A_254 = tpu.memref_slice %dma_wait3A_252[%dma_wait3A_253] : memref<1000000xf32, #tpu.memory_space<hbm>> -> memref<1000000xf32, #tpu.memory_space<hbm>>
    tpu.wait_indirect_dma semaphore(%arg12 : memref<!tpu.dma_semaphore, #tpu.memory_space<semaphore_mem>>) src(%dma_wait3A_254 : memref<1000000xf32, #tpu.memory_space<hbm>>) dst(%dma_wait3A_246 : memref<128xf32, #tpu.memory_space<vmem>>)
    %dma_wait3A_255 = arith.constant 2 : i32
    %dma_wait3A_256 = arith.constant 0 : i32
    %dma_wait3A_257 = arith.constant 0 : i32
    %dma_wait3A_258 = tpu.memref_slice %arg9[%dma_wait3A_257] : memref<512xf32, #tpu.memory_space<vmem>> -> memref<128xf32, #tpu.memory_space<vmem>>
    %dma_wait3A_259 = arith.constant 0 : i32
    %dma_wait3A_260 = tpu.memref_slice %arg6[%dma_wait3A_256, %dma_wait3A_259] : memref<4x128xi32, #tpu.memory_space<vmem>> -> memref<1x128xi32, #tpu.memory_space<vmem>>
    %dma_wait3A_261 = tpu.memref_squeeze %dma_wait3A_260 : memref<1x128xi32, #tpu.memory_space<vmem>> -> memref<128xi32, #tpu.memory_space<vmem>>
    %dma_wait3A_262 = arith.constant 0 : i32
    %dma_wait3A_263 = tpu.memref_slice %arg4[%dma_wait3A_255, %dma_wait3A_262] : memref<3x1000000xf32, #tpu.memory_space<hbm>> -> memref<1x1000000xf32, #tpu.memory_space<hbm>>
    %dma_wait3A_264 = tpu.memref_squeeze %dma_wait3A_263 : memref<1x1000000xf32, #tpu.memory_space<hbm>> -> memref<1000000xf32, #tpu.memory_space<hbm>>
    %dma_wait3A_265 = arith.constant 0 : i32
    %dma_wait3A_266 = tpu.memref_slice %dma_wait3A_264[%dma_wait3A_265] : memref<1000000xf32, #tpu.memory_space<hbm>> -> memref<1000000xf32, #tpu.memory_space<hbm>>
    tpu.wait_indirect_dma semaphore(%arg12 : memref<!tpu.dma_semaphore, #tpu.memory_space<semaphore_mem>>) src(%dma_wait3A_266 : memref<1000000xf32, #tpu.memory_space<hbm>>) dst(%dma_wait3A_258 : memref<128xf32, #tpu.memory_space<vmem>>)
    %scan3A = arith.constant 0 : i32
    %scan3A_267 = arith.constant 0 : i32
    %scan3A_268 = arith.constant 8 : i32
    %scan3A_269 = arith.addi %scan3A_267, %scan3A_268 : i32
    %scan3A_270 = arith.constant 1 : i32
    scf.for %scan3A_398 = %scan3A_267 to %scan3A_269 step %scan3A_270  : i32 {
      %mul3A_399 = arith.constant 16 : i32
      %mul3A_400 = arith.muli %scan3A_398, %mul3A_399 : i32
      %multiple_of3A_401 = tpu.assume_multiple %mul3A_400, 16 : i32
      %add3A_402 = arith.addi %mul3A_2, %multiple_of3A_401 : i32
      %add3A_403 = vector.broadcast %add3A_402 : i32 to vector<16xi32>
      %add3A_404 = arith.addi %iota3A, %add3A_403 : vector<16xi32>
      %sub3A_405 = arith.constant 1 : i32
      %sub3A_406 = vector.broadcast %sub3A_405 : i32 to vector<16xi32>
      %sub3A_407 = arith.subi %add3A_404, %sub3A_406 : vector<16xi32>
      %max3A_408 = arith.constant 0 : i32
      %max3A_409 = vector.broadcast %max3A_408 : i32 to vector<16xi32>
      %max3A_410 = arith.maxsi %sub3A_407, %max3A_409 : vector<16xi32>
      %sub3A_411 = vector.broadcast %multiple_of3A : i32 to vector<16xi32>
      %sub3A_412 = arith.subi %max3A_410, %sub3A_411 : vector<16xi32>
      %sub3A_413 = arith.constant 2 : i32
      %sub3A_414 = vector.broadcast %sub3A_413 : i32 to vector<16xi32>
      %sub3A_415 = arith.subi %add3A_404, %sub3A_414 : vector<16xi32>
      %max3A_416 = arith.constant 0 : i32
      %max3A_417 = vector.broadcast %max3A_416 : i32 to vector<16xi32>
      %max3A_418 = arith.maxsi %sub3A_415, %max3A_417 : vector<16xi32>
      %sub3A_419 = vector.broadcast %multiple_of3A : i32 to vector<16xi32>
      %sub3A_420 = arith.subi %max3A_418, %sub3A_419 : vector<16xi32>
      %gather3A = tpu.vector_load_idx %arg10[%sub3A_412] : memref<528xf32, #tpu.memory_space<vmem>>[vector<16xi32>], vector<16xf32>,
      %gather3A_421 = tpu.vector_load_idx %arg10[%sub3A_420] : memref<528xf32, #tpu.memory_space<vmem>>[vector<16xi32>], vector<16xf32>,
      %get3A = arith.index_cast %multiple_of3A_401 : i32 to index
      %get3A_422 = tpu.vector_load %arg7[%get3A] {strides = array<i32>} : memref<512xf32, #tpu.memory_space<vmem>>, vector<16xf32>,
      %mul3A_423 = arith.mulf %get3A_422, %gather3A : vector<16xf32>
      %get3A_424 = arith.index_cast %multiple_of3A_401 : i32 to index
      %get3A_425 = tpu.vector_load %arg8[%get3A_424] {strides = array<i32>} : memref<512xf32, #tpu.memory_space<vmem>>, vector<16xf32>,
      %mul3A_426 = arith.mulf %get3A_425, %gather3A_421 : vector<16xf32>
      %add3A_427 = arith.addf %mul3A_423, %mul3A_426 : vector<16xf32>
      %get3A_428 = arith.index_cast %multiple_of3A_401 : i32 to index
      %get3A_429 = tpu.vector_load %arg9[%get3A_428] {strides = array<i32>} : memref<512xf32, #tpu.memory_space<vmem>>, vector<16xf32>,
      %add3A_430 = arith.addf %add3A_427, %get3A_429 : vector<16xf32>
      %swap3A = arith.index_cast %multiple_of3A_401 : i32 to index
      %swap3A_431 = tpu.vector_load %arg11[%swap3A] {strides = array<i32>} : memref<512xf32, #tpu.memory_space<vmem>>, vector<16xf32>,
      tpu.vector_store %arg11[%swap3A], %add3A_430 {strides = array<i32>} : memref<512xf32, #tpu.memory_space<vmem>>, vector<16xf32>,
    }
    %scan3A_271 = arith.constant 8 : i32
    %dma_wait3A_272 = arith.constant 0 : i32
    %dma_wait3A_273 = arith.constant 1 : i32
    %dma_wait3A_274 = arith.constant 128 : i32
    %dma_wait3A_275 = tpu.memref_slice %arg7[%dma_wait3A_274] : memref<512xf32, #tpu.memory_space<vmem>> -> memref<128xf32, #tpu.memory_space<vmem>>
    %dma_wait3A_276 = arith.constant 0 : i32
    %dma_wait3A_277 = tpu.memref_slice %arg6[%dma_wait3A_273, %dma_wait3A_276] : memref<4x128xi32, #tpu.memory_space<vmem>> -> memref<1x128xi32, #tpu.memory_space<vmem>>
    %dma_wait3A_278 = tpu.memref_squeeze %dma_wait3A_277 : memref<1x128xi32, #tpu.memory_space<vmem>> -> memref<128xi32, #tpu.memory_space<vmem>>
    %dma_wait3A_279 = arith.constant 0 : i32
    %dma_wait3A_280 = tpu.memref_slice %arg4[%dma_wait3A_272, %dma_wait3A_279] : memref<3x1000000xf32, #tpu.memory_space<hbm>> -> memref<1x1000000xf32, #tpu.memory_space<hbm>>
    %dma_wait3A_281 = tpu.memref_squeeze %dma_wait3A_280 : memref<1x1000000xf32, #tpu.memory_space<hbm>> -> memref<1000000xf32, #tpu.memory_space<hbm>>
    %dma_wait3A_282 = arith.constant 0 : i32
    %dma_wait3A_283 = tpu.memref_slice %dma_wait3A_281[%dma_wait3A_282] : memref<1000000xf32, #tpu.memory_space<hbm>> -> memref<1000000xf32, #tpu.memory_space<hbm>>
    tpu.wait_indirect_dma semaphore(%arg12 : memref<!tpu.dma_semaphore, #tpu.memory_space<semaphore_mem>>) src(%dma_wait3A_283 : memref<1000000xf32, #tpu.memory_space<hbm>>) dst(%dma_wait3A_275 : memref<128xf32, #tpu.memory_space<vmem>>)
    %dma_wait3A_284 = arith.constant 1 : i32
    %dma_wait3A_285 = arith.constant 1 : i32
    %dma_wait3A_286 = arith.constant 128 : i32
    %dma_wait3A_287 = tpu.memref_slice %arg8[%dma_wait3A_286] : memref<512xf32, #tpu.memory_space<vmem>> -> memref<128xf32, #tpu.memory_space<vmem>>
    %dma_wait3A_288 = arith.constant 0 : i32
    %dma_wait3A_289 = tpu.memref_slice %arg6[%dma_wait3A_285, %dma_wait3A_288] : memref<4x128xi32, #tpu.memory_space<vmem>> -> memref<1x128xi32, #tpu.memory_space<vmem>>
    %dma_wait3A_290 = tpu.memref_squeeze %dma_wait3A_289 : memref<1x128xi32, #tpu.memory_space<vmem>> -> memref<128xi32, #tpu.memory_space<vmem>>
    %dma_wait3A_291 = arith.constant 0 : i32
    %dma_wait3A_292 = tpu.memref_slice %arg4[%dma_wait3A_284, %dma_wait3A_291] : memref<3x1000000xf32, #tpu.memory_space<hbm>> -> memref<1x1000000xf32, #tpu.memory_space<hbm>>
    %dma_wait3A_293 = tpu.memref_squeeze %dma_wait3A_292 : memref<1x1000000xf32, #tpu.memory_space<hbm>> -> memref<1000000xf32, #tpu.memory_space<hbm>>
    %dma_wait3A_294 = arith.constant 0 : i32
    %dma_wait3A_295 = tpu.memref_slice %dma_wait3A_293[%dma_wait3A_294] : memref<1000000xf32, #tpu.memory_space<hbm>> -> memref<1000000xf32, #tpu.memory_space<hbm>>
    tpu.wait_indirect_dma semaphore(%arg12 : memref<!tpu.dma_semaphore, #tpu.memory_space<semaphore_mem>>) src(%dma_wait3A_295 : memref<1000000xf32, #tpu.memory_space<hbm>>) dst(%dma_wait3A_287 : memref<128xf32, #tpu.memory_space<vmem>>)
    %dma_wait3A_296 = arith.constant 2 : i32
    %dma_wait3A_297 = arith.constant 1 : i32
    %dma_wait3A_298 = arith.constant 128 : i32
    %dma_wait3A_299 = tpu.memref_slice %arg9[%dma_wait3A_298] : memref<512xf32, #tpu.memory_space<vmem>> -> memref<128xf32, #tpu.memory_space<vmem>>
    %dma_wait3A_300 = arith.constant 0 : i32
    %dma_wait3A_301 = tpu.memref_slice %arg6[%dma_wait3A_297, %dma_wait3A_300] : memref<4x128xi32, #tpu.memory_space<vmem>> -> memref<1x128xi32, #tpu.memory_space<vmem>>
    %dma_wait3A_302 = tpu.memref_squeeze %dma_wait3A_301 : memref<1x128xi32, #tpu.memory_space<vmem>> -> memref<128xi32, #tpu.memory_space<vmem>>
    %dma_wait3A_303 = arith.constant 0 : i32
    %dma_wait3A_304 = tpu.memref_slice %arg4[%dma_wait3A_296, %dma_wait3A_303] : memref<3x1000000xf32, #tpu.memory_space<hbm>> -> memref<1x1000000xf32, #tpu.memory_space<hbm>>
    %dma_wait3A_305 = tpu.memref_squeeze %dma_wait3A_304 : memref<1x1000000xf32, #tpu.memory_space<hbm>> -> memref<1000000xf32, #tpu.memory_space<hbm>>
    %dma_wait3A_306 = arith.constant 0 : i32
    %dma_wait3A_307 = tpu.memref_slice %dma_wait3A_305[%dma_wait3A_306] : memref<1000000xf32, #tpu.memory_space<hbm>> -> memref<1000000xf32, #tpu.memory_space<hbm>>
    tpu.wait_indirect_dma semaphore(%arg12 : memref<!tpu.dma_semaphore, #tpu.memory_space<semaphore_mem>>) src(%dma_wait3A_307 : memref<1000000xf32, #tpu.memory_space<hbm>>) dst(%dma_wait3A_299 : memref<128xf32, #tpu.memory_space<vmem>>)
    %scan3A_308 = arith.constant 0 : i32
    %scan3A_309 = arith.constant 8 : i32
    %scan3A_310 = arith.constant 8 : i32
    %scan3A_311 = arith.addi %scan3A_309, %scan3A_310 : i32
    %scan3A_312 = arith.constant 1 : i32
    scf.for %scan3A_398 = %scan3A_309 to %scan3A_311 step %scan3A_312  : i32 {
      %mul3A_399 = arith.constant 16 : i32
      %mul3A_400 = arith.muli %scan3A_398, %mul3A_399 : i32
      %multiple_of3A_401 = tpu.assume_multiple %mul3A_400, 16 : i32
      %add3A_402 = arith.addi %mul3A_2, %multiple_of3A_401 : i32
      %add3A_403 = vector.broadcast %add3A_402 : i32 to vector<16xi32>
      %add3A_404 = arith.addi %iota3A, %add3A_403 : vector<16xi32>
      %sub3A_405 = arith.constant 1 : i32
      %sub3A_406 = vector.broadcast %sub3A_405 : i32 to vector<16xi32>
      %sub3A_407 = arith.subi %add3A_404, %sub3A_406 : vector<16xi32>
      %max3A_408 = arith.constant 0 : i32
      %max3A_409 = vector.broadcast %max3A_408 : i32 to vector<16xi32>
      %max3A_410 = arith.maxsi %sub3A_407, %max3A_409 : vector<16xi32>
      %sub3A_411 = vector.broadcast %multiple_of3A : i32 to vector<16xi32>
      %sub3A_412 = arith.subi %max3A_410, %sub3A_411 : vector<16xi32>
      %sub3A_413 = arith.constant 2 : i32
      %sub3A_414 = vector.broadcast %sub3A_413 : i32 to vector<16xi32>
      %sub3A_415 = arith.subi %add3A_404, %sub3A_414 : vector<16xi32>
      %max3A_416 = arith.constant 0 : i32
      %max3A_417 = vector.broadcast %max3A_416 : i32 to vector<16xi32>
      %max3A_418 = arith.maxsi %sub3A_415, %max3A_417 : vector<16xi32>
      %sub3A_419 = vector.broadcast %multiple_of3A : i32 to vector<16xi32>
      %sub3A_420 = arith.subi %max3A_418, %sub3A_419 : vector<16xi32>
      %gather3A = tpu.vector_load_idx %arg10[%sub3A_412] : memref<528xf32, #tpu.memory_space<vmem>>[vector<16xi32>], vector<16xf32>,
      %gather3A_421 = tpu.vector_load_idx %arg10[%sub3A_420] : memref<528xf32, #tpu.memory_space<vmem>>[vector<16xi32>], vector<16xf32>,
      %get3A = arith.index_cast %multiple_of3A_401 : i32 to index
      %get3A_422 = tpu.vector_load %arg7[%get3A] {strides = array<i32>} : memref<512xf32, #tpu.memory_space<vmem>>, vector<16xf32>,
      %mul3A_423 = arith.mulf %get3A_422, %gather3A : vector<16xf32>
      %get3A_424 = arith.index_cast %multiple_of3A_401 : i32 to index
      %get3A_425 = tpu.vector_load %arg8[%get3A_424] {strides = array<i32>} : memref<512xf32, #tpu.memory_space<vmem>>, vector<16xf32>,
      %mul3A_426 = arith.mulf %get3A_425, %gather3A_421 : vector<16xf32>
      %add3A_427 = arith.addf %mul3A_423, %mul3A_426 : vector<16xf32>
      %get3A_428 = arith.index_cast %multiple_of3A_401 : i32 to index
      %get3A_429 = tpu.vector_load %arg9[%get3A_428] {strides = array<i32>} : memref<512xf32, #tpu.memory_space<vmem>>, vector<16xf32>,
      %add3A_430 = arith.addf %add3A_427, %get3A_429 : vector<16xf32>
      %swap3A = arith.index_cast %multiple_of3A_401 : i32 to index
      %swap3A_431 = tpu.vector_load %arg11[%swap3A] {strides = array<i32>} : memref<512xf32, #tpu.memory_space<vmem>>, vector<16xf32>,
      tpu.vector_store %arg11[%swap3A], %add3A_430 {strides = array<i32>} : memref<512xf32, #tpu.memory_space<vmem>>, vector<16xf32>,
    }
    %scan3A_313 = arith.constant 8 : i32
    %dma_wait3A_314 = arith.constant 0 : i32
    %dma_wait3A_315 = arith.constant 2 : i32
    %dma_wait3A_316 = arith.constant 256 : i32
    %dma_wait3A_317 = tpu.memref_slice %arg7[%dma_wait3A_316] : memref<512xf32, #tpu.memory_space<vmem>> -> memref<128xf32, #tpu.memory_space<vmem>>
    %dma_wait3A_318 = arith.constant 0 : i32
    %dma_wait3A_319 = tpu.memref_slice %arg6[%dma_wait3A_315, %dma_wait3A_318] : memref<4x128xi32, #tpu.memory_space<vmem>> -> memref<1x128xi32, #tpu.memory_space<vmem>>
    %dma_wait3A_320 = tpu.memref_squeeze %dma_wait3A_319 : memref<1x128xi32, #tpu.memory_space<vmem>> -> memref<128xi32, #tpu.memory_space<vmem>>
    %dma_wait3A_321 = arith.constant 0 : i32
    %dma_wait3A_322 = tpu.memref_slice %arg4[%dma_wait3A_314, %dma_wait3A_321] : memref<3x1000000xf32, #tpu.memory_space<hbm>> -> memref<1x1000000xf32, #tpu.memory_space<hbm>>
    %dma_wait3A_323 = tpu.memref_squeeze %dma_wait3A_322 : memref<1x1000000xf32, #tpu.memory_space<hbm>> -> memref<1000000xf32, #tpu.memory_space<hbm>>
    %dma_wait3A_324 = arith.constant 0 : i32
    %dma_wait3A_325 = tpu.memref_slice %dma_wait3A_323[%dma_wait3A_324] : memref<1000000xf32, #tpu.memory_space<hbm>> -> memref<1000000xf32, #tpu.memory_space<hbm>>
    tpu.wait_indirect_dma semaphore(%arg12 : memref<!tpu.dma_semaphore, #tpu.memory_space<semaphore_mem>>) src(%dma_wait3A_325 : memref<1000000xf32, #tpu.memory_space<hbm>>) dst(%dma_wait3A_317 : memref<128xf32, #tpu.memory_space<vmem>>)
    %dma_wait3A_326 = arith.constant 1 : i32
    %dma_wait3A_327 = arith.constant 2 : i32
    %dma_wait3A_328 = arith.constant 256 : i32
    %dma_wait3A_329 = tpu.memref_slice %arg8[%dma_wait3A_328] : memref<512xf32, #tpu.memory_space<vmem>> -> memref<128xf32, #tpu.memory_space<vmem>>
    %dma_wait3A_330 = arith.constant 0 : i32
    %dma_wait3A_331 = tpu.memref_slice %arg6[%dma_wait3A_327, %dma_wait3A_330] : memref<4x128xi32, #tpu.memory_space<vmem>> -> memref<1x128xi32, #tpu.memory_space<vmem>>
    %dma_wait3A_332 = tpu.memref_squeeze %dma_wait3A_331 : memref<1x128xi32, #tpu.memory_space<vmem>> -> memref<128xi32, #tpu.memory_space<vmem>>
    %dma_wait3A_333 = arith.constant 0 : i32
    %dma_wait3A_334 = tpu.memref_slice %arg4[%dma_wait3A_326, %dma_wait3A_333] : memref<3x1000000xf32, #tpu.memory_space<hbm>> -> memref<1x1000000xf32, #tpu.memory_space<hbm>>
    %dma_wait3A_335 = tpu.memref_squeeze %dma_wait3A_334 : memref<1x1000000xf32, #tpu.memory_space<hbm>> -> memref<1000000xf32, #tpu.memory_space<hbm>>
    %dma_wait3A_336 = arith.constant 0 : i32
    %dma_wait3A_337 = tpu.memref_slice %dma_wait3A_335[%dma_wait3A_336] : memref<1000000xf32, #tpu.memory_space<hbm>> -> memref<1000000xf32, #tpu.memory_space<hbm>>
    tpu.wait_indirect_dma semaphore(%arg12 : memref<!tpu.dma_semaphore, #tpu.memory_space<semaphore_mem>>) src(%dma_wait3A_337 : memref<1000000xf32, #tpu.memory_space<hbm>>) dst(%dma_wait3A_329 : memref<128xf32, #tpu.memory_space<vmem>>)
    %dma_wait3A_338 = arith.constant 2 : i32
    %dma_wait3A_339 = arith.constant 2 : i32
    %dma_wait3A_340 = arith.constant 256 : i32
    %dma_wait3A_341 = tpu.memref_slice %arg9[%dma_wait3A_340] : memref<512xf32, #tpu.memory_space<vmem>> -> memref<128xf32, #tpu.memory_space<vmem>>
    %dma_wait3A_342 = arith.constant 0 : i32
    %dma_wait3A_343 = tpu.memref_slice %arg6[%dma_wait3A_339, %dma_wait3A_342] : memref<4x128xi32, #tpu.memory_space<vmem>> -> memref<1x128xi32, #tpu.memory_space<vmem>>
    %dma_wait3A_344 = tpu.memref_squeeze %dma_wait3A_343 : memref<1x128xi32, #tpu.memory_space<vmem>> -> memref<128xi32, #tpu.memory_space<vmem>>
    %dma_wait3A_345 = arith.constant 0 : i32
    %dma_wait3A_346 = tpu.memref_slice %arg4[%dma_wait3A_338, %dma_wait3A_345] : memref<3x1000000xf32, #tpu.memory_space<hbm>> -> memref<1x1000000xf32, #tpu.memory_space<hbm>>
    %dma_wait3A_347 = tpu.memref_squeeze %dma_wait3A_346 : memref<1x1000000xf32, #tpu.memory_space<hbm>> -> memref<1000000xf32, #tpu.memory_space<hbm>>
    %dma_wait3A_348 = arith.constant 0 : i32
    %dma_wait3A_349 = tpu.memref_slice %dma_wait3A_347[%dma_wait3A_348] : memref<1000000xf32, #tpu.memory_space<hbm>> -> memref<1000000xf32, #tpu.memory_space<hbm>>
    tpu.wait_indirect_dma semaphore(%arg12 : memref<!tpu.dma_semaphore, #tpu.memory_space<semaphore_mem>>) src(%dma_wait3A_349 : memref<1000000xf32, #tpu.memory_space<hbm>>) dst(%dma_wait3A_341 : memref<128xf32, #tpu.memory_space<vmem>>)
    %scan3A_350 = arith.constant 0 : i32
    %scan3A_351 = arith.constant 16 : i32
    %scan3A_352 = arith.constant 8 : i32
    %scan3A_353 = arith.addi %scan3A_351, %scan3A_352 : i32
    %scan3A_354 = arith.constant 1 : i32
    scf.for %scan3A_398 = %scan3A_351 to %scan3A_353 step %scan3A_354  : i32 {
      %mul3A_399 = arith.constant 16 : i32
      %mul3A_400 = arith.muli %scan3A_398, %mul3A_399 : i32
      %multiple_of3A_401 = tpu.assume_multiple %mul3A_400, 16 : i32
      %add3A_402 = arith.addi %mul3A_2, %multiple_of3A_401 : i32
      %add3A_403 = vector.broadcast %add3A_402 : i32 to vector<16xi32>
      %add3A_404 = arith.addi %iota3A, %add3A_403 : vector<16xi32>
      %sub3A_405 = arith.constant 1 : i32
      %sub3A_406 = vector.broadcast %sub3A_405 : i32 to vector<16xi32>
      %sub3A_407 = arith.subi %add3A_404, %sub3A_406 : vector<16xi32>
      %max3A_408 = arith.constant 0 : i32
      %max3A_409 = vector.broadcast %max3A_408 : i32 to vector<16xi32>
      %max3A_410 = arith.maxsi %sub3A_407, %max3A_409 : vector<16xi32>
      %sub3A_411 = vector.broadcast %multiple_of3A : i32 to vector<16xi32>
      %sub3A_412 = arith.subi %max3A_410, %sub3A_411 : vector<16xi32>
      %sub3A_413 = arith.constant 2 : i32
      %sub3A_414 = vector.broadcast %sub3A_413 : i32 to vector<16xi32>
      %sub3A_415 = arith.subi %add3A_404, %sub3A_414 : vector<16xi32>
      %max3A_416 = arith.constant 0 : i32
      %max3A_417 = vector.broadcast %max3A_416 : i32 to vector<16xi32>
      %max3A_418 = arith.maxsi %sub3A_415, %max3A_417 : vector<16xi32>
      %sub3A_419 = vector.broadcast %multiple_of3A : i32 to vector<16xi32>
      %sub3A_420 = arith.subi %max3A_418, %sub3A_419 : vector<16xi32>
      %gather3A = tpu.vector_load_idx %arg10[%sub3A_412] : memref<528xf32, #tpu.memory_space<vmem>>[vector<16xi32>], vector<16xf32>,
      %gather3A_421 = tpu.vector_load_idx %arg10[%sub3A_420] : memref<528xf32, #tpu.memory_space<vmem>>[vector<16xi32>], vector<16xf32>,
      %get3A = arith.index_cast %multiple_of3A_401 : i32 to index
      %get3A_422 = tpu.vector_load %arg7[%get3A] {strides = array<i32>} : memref<512xf32, #tpu.memory_space<vmem>>, vector<16xf32>,
      %mul3A_423 = arith.mulf %get3A_422, %gather3A : vector<16xf32>
      %get3A_424 = arith.index_cast %multiple_of3A_401 : i32 to index
      %get3A_425 = tpu.vector_load %arg8[%get3A_424] {strides = array<i32>} : memref<512xf32, #tpu.memory_space<vmem>>, vector<16xf32>,
      %mul3A_426 = arith.mulf %get3A_425, %gather3A_421 : vector<16xf32>
      %add3A_427 = arith.addf %mul3A_423, %mul3A_426 : vector<16xf32>
      %get3A_428 = arith.index_cast %multiple_of3A_401 : i32 to index
      %get3A_429 = tpu.vector_load %arg9[%get3A_428] {strides = array<i32>} : memref<512xf32, #tpu.memory_space<vmem>>, vector<16xf32>,
      %add3A_430 = arith.addf %add3A_427, %get3A_429 : vector<16xf32>
      %swap3A = arith.index_cast %multiple_of3A_401 : i32 to index
      %swap3A_431 = tpu.vector_load %arg11[%swap3A] {strides = array<i32>} : memref<512xf32, #tpu.memory_space<vmem>>, vector<16xf32>,
      tpu.vector_store %arg11[%swap3A], %add3A_430 {strides = array<i32>} : memref<512xf32, #tpu.memory_space<vmem>>, vector<16xf32>,
    }
    %scan3A_355 = arith.constant 8 : i32
    %dma_wait3A_356 = arith.constant 0 : i32
    %dma_wait3A_357 = arith.constant 3 : i32
    %dma_wait3A_358 = arith.constant 384 : i32
    %dma_wait3A_359 = tpu.memref_slice %arg7[%dma_wait3A_358] : memref<512xf32, #tpu.memory_space<vmem>> -> memref<128xf32, #tpu.memory_space<vmem>>
    %dma_wait3A_360 = arith.constant 0 : i32
    %dma_wait3A_361 = tpu.memref_slice %arg6[%dma_wait3A_357, %dma_wait3A_360] : memref<4x128xi32, #tpu.memory_space<vmem>> -> memref<1x128xi32, #tpu.memory_space<vmem>>
    %dma_wait3A_362 = tpu.memref_squeeze %dma_wait3A_361 : memref<1x128xi32, #tpu.memory_space<vmem>> -> memref<128xi32, #tpu.memory_space<vmem>>
    %dma_wait3A_363 = arith.constant 0 : i32
    %dma_wait3A_364 = tpu.memref_slice %arg4[%dma_wait3A_356, %dma_wait3A_363] : memref<3x1000000xf32, #tpu.memory_space<hbm>> -> memref<1x1000000xf32, #tpu.memory_space<hbm>>
    %dma_wait3A_365 = tpu.memref_squeeze %dma_wait3A_364 : memref<1x1000000xf32, #tpu.memory_space<hbm>> -> memref<1000000xf32, #tpu.memory_space<hbm>>
    %dma_wait3A_366 = arith.constant 0 : i32
    %dma_wait3A_367 = tpu.memref_slice %dma_wait3A_365[%dma_wait3A_366] : memref<1000000xf32, #tpu.memory_space<hbm>> -> memref<1000000xf32, #tpu.memory_space<hbm>>
    tpu.wait_indirect_dma semaphore(%arg12 : memref<!tpu.dma_semaphore, #tpu.memory_space<semaphore_mem>>) src(%dma_wait3A_367 : memref<1000000xf32, #tpu.memory_space<hbm>>) dst(%dma_wait3A_359 : memref<128xf32, #tpu.memory_space<vmem>>)
    %dma_wait3A_368 = arith.constant 1 : i32
    %dma_wait3A_369 = arith.constant 3 : i32
    %dma_wait3A_370 = arith.constant 384 : i32
    %dma_wait3A_371 = tpu.memref_slice %arg8[%dma_wait3A_370] : memref<512xf32, #tpu.memory_space<vmem>> -> memref<128xf32, #tpu.memory_space<vmem>>
    %dma_wait3A_372 = arith.constant 0 : i32
    %dma_wait3A_373 = tpu.memref_slice %arg6[%dma_wait3A_369, %dma_wait3A_372] : memref<4x128xi32, #tpu.memory_space<vmem>> -> memref<1x128xi32, #tpu.memory_space<vmem>>
    %dma_wait3A_374 = tpu.memref_squeeze %dma_wait3A_373 : memref<1x128xi32, #tpu.memory_space<vmem>> -> memref<128xi32, #tpu.memory_space<vmem>>
    %dma_wait3A_375 = arith.constant 0 : i32
    %dma_wait3A_376 = tpu.memref_slice %arg4[%dma_wait3A_368, %dma_wait3A_375] : memref<3x1000000xf32, #tpu.memory_space<hbm>> -> memref<1x1000000xf32, #tpu.memory_space<hbm>>
    %dma_wait3A_377 = tpu.memref_squeeze %dma_wait3A_376 : memref<1x1000000xf32, #tpu.memory_space<hbm>> -> memref<1000000xf32, #tpu.memory_space<hbm>>
    %dma_wait3A_378 = arith.constant 0 : i32
    %dma_wait3A_379 = tpu.memref_slice %dma_wait3A_377[%dma_wait3A_378] : memref<1000000xf32, #tpu.memory_space<hbm>> -> memref<1000000xf32, #tpu.memory_space<hbm>>
    tpu.wait_indirect_dma semaphore(%arg12 : memref<!tpu.dma_semaphore, #tpu.memory_space<semaphore_mem>>) src(%dma_wait3A_379 : memref<1000000xf32, #tpu.memory_space<hbm>>) dst(%dma_wait3A_371 : memref<128xf32, #tpu.memory_space<vmem>>)
    %dma_wait3A_380 = arith.constant 2 : i32
    %dma_wait3A_381 = arith.constant 3 : i32
    %dma_wait3A_382 = arith.constant 384 : i32
    %dma_wait3A_383 = tpu.memref_slice %arg9[%dma_wait3A_382] : memref<512xf32, #tpu.memory_space<vmem>> -> memref<128xf32, #tpu.memory_space<vmem>>
    %dma_wait3A_384 = arith.constant 0 : i32
    %dma_wait3A_385 = tpu.memref_slice %arg6[%dma_wait3A_381, %dma_wait3A_384] : memref<4x128xi32, #tpu.memory_space<vmem>> -> memref<1x128xi32, #tpu.memory_space<vmem>>
    %dma_wait3A_386 = tpu.memref_squeeze %dma_wait3A_385 : memref<1x128xi32, #tpu.memory_space<vmem>> -> memref<128xi32, #tpu.memory_space<vmem>>
    %dma_wait3A_387 = arith.constant 0 : i32
    %dma_wait3A_388 = tpu.memref_slice %arg4[%dma_wait3A_380, %dma_wait3A_387] : memref<3x1000000xf32, #tpu.memory_space<hbm>> -> memref<1x1000000xf32, #tpu.memory_space<hbm>>
    %dma_wait3A_389 = tpu.memref_squeeze %dma_wait3A_388 : memref<1x1000000xf32, #tpu.memory_space<hbm>> -> memref<1000000xf32, #tpu.memory_space<hbm>>
    %dma_wait3A_390 = arith.constant 0 : i32
    %dma_wait3A_391 = tpu.memref_slice %dma_wait3A_389[%dma_wait3A_390] : memref<1000000xf32, #tpu.memory_space<hbm>> -> memref<1000000xf32, #tpu.memory_space<hbm>>
    tpu.wait_indirect_dma semaphore(%arg12 : memref<!tpu.dma_semaphore, #tpu.memory_space<semaphore_mem>>) src(%dma_wait3A_391 : memref<1000000xf32, #tpu.memory_space<hbm>>) dst(%dma_wait3A_383 : memref<128xf32, #tpu.memory_space<vmem>>)
    %scan3A_392 = arith.constant 0 : i32
    %scan3A_393 = arith.constant 24 : i32
    %scan3A_394 = arith.constant 8 : i32
    %scan3A_395 = arith.addi %scan3A_393, %scan3A_394 : i32
    %scan3A_396 = arith.constant 1 : i32
    scf.for %scan3A_398 = %scan3A_393 to %scan3A_395 step %scan3A_396  : i32 {
      %mul3A_399 = arith.constant 16 : i32
      %mul3A_400 = arith.muli %scan3A_398, %mul3A_399 : i32
      %multiple_of3A_401 = tpu.assume_multiple %mul3A_400, 16 : i32
      %add3A_402 = arith.addi %mul3A_2, %multiple_of3A_401 : i32
      %add3A_403 = vector.broadcast %add3A_402 : i32 to vector<16xi32>
      %add3A_404 = arith.addi %iota3A, %add3A_403 : vector<16xi32>
      %sub3A_405 = arith.constant 1 : i32
      %sub3A_406 = vector.broadcast %sub3A_405 : i32 to vector<16xi32>
      %sub3A_407 = arith.subi %add3A_404, %sub3A_406 : vector<16xi32>
      %max3A_408 = arith.constant 0 : i32
      %max3A_409 = vector.broadcast %max3A_408 : i32 to vector<16xi32>
      %max3A_410 = arith.maxsi %sub3A_407, %max3A_409 : vector<16xi32>
      %sub3A_411 = vector.broadcast %multiple_of3A : i32 to vector<16xi32>
      %sub3A_412 = arith.subi %max3A_410, %sub3A_411 : vector<16xi32>
      %sub3A_413 = arith.constant 2 : i32
      %sub3A_414 = vector.broadcast %sub3A_413 : i32 to vector<16xi32>
      %sub3A_415 = arith.subi %add3A_404, %sub3A_414 : vector<16xi32>
      %max3A_416 = arith.constant 0 : i32
      %max3A_417 = vector.broadcast %max3A_416 : i32 to vector<16xi32>
      %max3A_418 = arith.maxsi %sub3A_415, %max3A_417 : vector<16xi32>
      %sub3A_419 = vector.broadcast %multiple_of3A : i32 to vector<16xi32>
      %sub3A_420 = arith.subi %max3A_418, %sub3A_419 : vector<16xi32>
      %gather3A = tpu.vector_load_idx %arg10[%sub3A_412] : memref<528xf32, #tpu.memory_space<vmem>>[vector<16xi32>], vector<16xf32>,
      %gather3A_421 = tpu.vector_load_idx %arg10[%sub3A_420] : memref<528xf32, #tpu.memory_space<vmem>>[vector<16xi32>], vector<16xf32>,
      %get3A = arith.index_cast %multiple_of3A_401 : i32 to index
      %get3A_422 = tpu.vector_load %arg7[%get3A] {strides = array<i32>} : memref<512xf32, #tpu.memory_space<vmem>>, vector<16xf32>,
      %mul3A_423 = arith.mulf %get3A_422, %gather3A : vector<16xf32>
      %get3A_424 = arith.index_cast %multiple_of3A_401 : i32 to index
      %get3A_425 = tpu.vector_load %arg8[%get3A_424] {strides = array<i32>} : memref<512xf32, #tpu.memory_space<vmem>>, vector<16xf32>,
      %mul3A_426 = arith.mulf %get3A_425, %gather3A_421 : vector<16xf32>
      %add3A_427 = arith.addf %mul3A_423, %mul3A_426 : vector<16xf32>
      %get3A_428 = arith.index_cast %multiple_of3A_401 : i32 to index
      %get3A_429 = tpu.vector_load %arg9[%get3A_428] {strides = array<i32>} : memref<512xf32, #tpu.memory_space<vmem>>, vector<16xf32>,
      %add3A_430 = arith.addf %add3A_427, %get3A_429 : vector<16xf32>
      %swap3A = arith.index_cast %multiple_of3A_401 : i32 to index
      %swap3A_431 = tpu.vector_load %arg11[%swap3A] {strides = array<i32>} : memref<512xf32, #tpu.memory_space<vmem>>, vector<16xf32>,
      tpu.vector_store %arg11[%swap3A], %add3A_430 {strides = array<i32>} : memref<512xf32, #tpu.memory_space<vmem>>, vector<16xf32>,
    }
    %scan3A_397 = arith.constant 8 : i32
    "tpu.region"() ({
      %run_scoped3A = tpu.sem_alloc : memref<!tpu.dma_semaphore, #tpu.memory_space<semaphore_mem>>
      %dma_start3A_398 = tpu.memref_slice %arg5[%mul3A_2] : memref<16384xf32, #tpu.memory_space<hbm>> -> memref<512xf32, #tpu.memory_space<hbm>>
      %dma_start3A_399 = tpu.memref_slice %arg5[%mul3A_2] : memref<16384xf32, #tpu.memory_space<hbm>> -> memref<512xf32, #tpu.memory_space<hbm>>
      tpu.enqueue_dma source(%arg11 : memref<512xf32, #tpu.memory_space<vmem>>) target(%dma_start3A_399 : memref<512xf32, #tpu.memory_space<hbm>>) target_semaphore(%run_scoped3A : memref<!tpu.dma_semaphore, #tpu.memory_space<semaphore_mem>>)
      %dma_wait3A_400 = tpu.memref_slice %arg5[%mul3A_2] : memref<16384xf32, #tpu.memory_space<hbm>> -> memref<512xf32, #tpu.memory_space<hbm>>
      %dma_wait3A_401 = tpu.memref_slice %arg5[%mul3A_2] : memref<16384xf32, #tpu.memory_space<hbm>> -> memref<512xf32, #tpu.memory_space<hbm>>
      tpu.wait_dma2 semaphore(%run_scoped3A : memref<!tpu.dma_semaphore, #tpu.memory_space<semaphore_mem>>) src(%arg11 : memref<512xf32, #tpu.memory_space<vmem>>) dst(%dma_wait3A_401 : memref<512xf32, #tpu.memory_space<hbm>>)
      tpu.yield
    }) : () -> ()
    return
  }
}

</mosaic_0001>

<sc_bundles>
// kernel: kernel.3.cloned.1.call-start
scs
__scs_entry_jumppad:
0x0: {  	(pc) =	sbr.rel $0x88, $3  }
0x1: {  	(tag) =	ssettag $0x0;
	lr =	simm.s32 $0x1  }
0x2: {  	[smem:$0x3F9E] =	sst lr;
	_ =	strace $0xD0000000  }
0x3: {  	_ = 	snop  }
0x4: {  	_ = 	snop  }
0x5: {  	_ = 	snop  }
0x6: {  	_ = 	snop  }
0x7: {  	_ = 	snop  }
__scs_overlays_trampoline_lowered:
0x8: {  	[smem:$0x3FAD] =	sst s0  }
0x9: {  	[smem:$0x3FAE] =	sst s1  }
0xa: {  	[smem:$0x3FAF] =	sst s2  }
0xb: {  	[smem:$0x3FB0] =	sst s3  }
0xc: {  	[smem:$0x3FB1] =	sst s4  }
0xd: {  	[smem:$0x3FB2] =	sst s5  }
0xe: {  	[smem:$0x3FB3] =	sst s6  }
0xf: {  	[smem:$0x3FB4] =	sst s7  }
0x10: {  	[smem:$0x3FB5] =	sst s8  }
0x11: {  	[smem:$0x3FB6] =	sst s9;
	s0 =	simm.s32 @!p0 $0x0  }
0x12: {  	s1 =	sld [smem:$0x3F9C];
	s0 =	simm.s32 @p0 $0x1  }
0x13: {  	[smem:$0x3FB7] =	sst s0;
	s0 =	simm.s32 @!p1 $0x0  }
0x14: {  	s2 =	sld [smem:$0x3F9B];
	s0 =	simm.s32 @p1 $0x1  }
0x15: {  	[smem:$0x3FB8] =	sst s0;
	s0 =	simm.s32 @!p2 $0x0  }
0x16: {  	s3 =	sld [smem:$0x3FDB];
	s0 =	simm.s32 @p2 $0x1  }
0x17: {  	s4 =	simm.s32 $0x1BF5;
	[smem:$0x3FBA] =	sst s0  }
0x18: {  	s0 =	sld [smem:$0x3F9D];
	_ =	swait.ge [sflag:s4], $0x0  }
0x19: {  	s7 =	sld [smem:$0x3F9E]  }
0x1a: {  	s8 =	sadd.s32 $0xFFFFE003, lr  }
0x1b: {  	s9 =	sadd.s32 $0xFFFFFEF7, lr;
	s5 =	simm.s32 $0xFFFFFFFF;
	p2 =	slt.u32 s8, $0xFFFFF086  }
0x1c: {  	p1 =	slt.u32 s9, $0xF7A;
	s5 =	simm.s32 @!p2 $0x0  }
0x1d: {  	s5 =	simm.s32 @p1 $0x1;
	p0 =	seq.s32 s7, s2  }
0x1e: {  	s7 =	smul.u32 @!p0 $0xF7A, s2;
	p2 =	seq.s32 @!p0 s5, $0x0  }
0x1f: {  	s9 =	smul.u32 $0xF7A, s1;
	s8 =	simm.s32 @!p0 $0x1BF5;
	p2 =	por !p2, p0  }
0x20: {  	[sflag:s8] =	ssyncset.s32 @!p0 $0xFFFFF086;
	s6 =	sadd.s32 @!p0 s3, s7;
	s7 =	simm.s32 @!p0 $0x108  }
0x21: {  	s3 =	sadd.s32 s3, s9;
	s6 =	sadd.s32 @!p0 $0x88, s6;
	s7 =	simm.s32 @p2 $0x1082  }
0x22: {  	[simem:s7], [sflag:s8] =	dma.local @!p0 [hbm:s6], $0xF7A  }
0x23: {  	s9 =	sor.u32 $0xD0000000, s2;
	s6 =	simm.s32 $0x108;
	_ =	swait.ge @!p0 [sflag:s8], $0x0  }
0x24: {  	s3 =	sadd.s32 $0x88, s3;
	s6 =	simm.s32 @!p1 $0x1082;
	[sflag:s4] =	ssyncset.s32 $0xFFFFF086  }
0x25: {  	[simem:s6], [sflag:s4] =	dma.local [hbm:s3], $0xF7A  }
0x26: {  	[smem:$0x3F9E] =	sst s1;
	(tag) =	ssettag s2;
	_ =	strace s9  }
0x27: {  	s1 =	sld [smem:$0x3FAE]  }
0x28: {  	s2 =	sld [smem:$0x3FAF]  }
0x29: {  	s4 =	sld [smem:$0x3FB1]  }
0x2a: {  	p0 =	seq.s32 s5, $0x0;
	s5 =	sld [smem:$0x3FB2]  }
0x2b: {  	s6 =	sld [smem:$0x3FB3]  }
0x2c: {  	s7 =	sld [smem:$0x3FB4]  }
0x2d: {  	s3 =	simm.s32 $0x108;
	s8 =	sld [smem:$0x3FB5]  }
0x2e: {  	s3 =	simm.s32 @!p0 $0x1082;
	s9 =	sld [smem:$0x3FB6]  }
0x2f: {  	lr =	sadd.s32 s0, s3;
	s0 =	sld [smem:$0x3FAD]  }
0x30: {  	s3 =	sld [smem:$0x3FB0]  }
0x31: {  	[smem:$0x3FB9] =	sst s10  }
0x32: {  	s10 =	sld [smem:$0x3FB7];
	_ =	sdelay $0x3  }
0x33: {  	p0 =	seq.s32 s10, $0x1;
	s10 =	sld [smem:$0x3FB9];
	_ =	sdelay $0x3  }
0x34: {  	[smem:$0x3FB9] =	sst s10  }
0x35: {  	s10 =	sld [smem:$0x3FB8];
	_ =	sdelay $0x3  }
0x36: {  	p1 =	seq.s32 s10, $0x1;
	s10 =	sld [smem:$0x3FB9];
	_ =	sdelay $0x3  }
0x37: {  	[smem:$0x3FB9] =	sst s10  }
0x38: {  	s10 =	sld [smem:$0x3FBA]  }
0x39: {  	_ = 	snop;
	(pc) =	sbr.ind lr, $3  }
0x3a: {  	_ = 	snop  }
0x3b: {  	_ = 	snop  }
0x3c: {  	p2 =	seq.s32 s10, $0x1;
	s10 =	sld [smem:$0x3FB9]  }
0x3d: {  	_ =	shalt  }
0x3e: {  	_ =	shalt  }
0x3f: {  	_ =	shalt  }
0x40: {  	_ =	shalt  }
0x41: {  	_ =	shalt  }
0x42: {  	_ =	shalt  }
0x43: {  	_ =	shalt  }
0x44: {  	_ =	shalt  }
0x45: {  	_ =	shalt  }
0x46: {  	_ =	shalt  }
0x47: {  	_ =	shalt  }
0x48: {  	_ =	shalt  }
0x49: {  	_ =	shalt  }
0x4a: {  	_ =	shalt  }
0x4b: {  	_ =	shalt  }
0x4c: {  	_ =	shalt  }
0x4d: {  	_ =	shalt  }
0x4e: {  	_ =	shalt  }
0x4f: {  	_ =	shalt  }
0x50: {  	_ =	shalt  }
0x51: {  	_ =	shalt  }
0x52: {  	_ =	shalt  }
0x53: {  	_ =	shalt  }
0x54: {  	_ =	shalt  }
0x55: {  	_ =	shalt  }
0x56: {  	_ =	shalt  }
0x57: {  	_ =	shalt  }
0x58: {  	_ =	shalt  }
0x59: {  	_ =	shalt  }
0x5a: {  	_ =	shalt  }
0x5b: {  	_ =	shalt  }
0x5c: {  	_ =	shalt  }
0x5d: {  	_ =	shalt  }
0x5e: {  	_ =	shalt  }
0x5f: {  	_ =	shalt  }
0x60: {  	_ =	shalt  }
0x61: {  	_ =	shalt  }
0x62: {  	_ =	shalt  }
0x63: {  	_ =	shalt  }
0x64: {  	_ =	shalt  }
0x65: {  	_ =	shalt  }
0x66: {  	_ =	shalt  }
0x67: {  	_ =	shalt  }
0x68: {  	_ =	shalt  }
0x69: {  	_ =	shalt  }
0x6a: {  	_ =	shalt  }
0x6b: {  	_ =	shalt  }
0x6c: {  	_ =	shalt  }
0x6d: {  	_ =	shalt  }
0x6e: {  	_ =	shalt  }
0x6f: {  	_ =	shalt  }
0x70: {  	_ =	shalt  }
0x71: {  	_ =	shalt  }
0x72: {  	_ =	shalt  }
0x73: {  	_ =	shalt  }
0x74: {  	_ =	shalt  }
0x75: {  	_ =	shalt  }
0x76: {  	_ =	shalt  }
0x77: {  	_ =	shalt  }
0x78: {  	_ =	shalt  }
0x79: {  	_ =	shalt  }
0x7a: {  	_ =	shalt  }
0x7b: {  	_ =	shalt  }
0x7c: {  	_ =	shalt  }
0x7d: {  	_ =	shalt  }
0x7e: {  	_ =	shalt  }
0x7f: {  	_ =	shalt  }
0x80: {  	_ =	shalt  }
0x81: {  	_ =	shalt  }
0x82: {  	_ =	shalt  }
0x83: {  	_ =	shalt  }
0x84: {  	_ =	shalt  }
0x85: {  	_ =	shalt  }
0x86: {  	_ =	shalt  }
0x87: {  	_ =	shalt  }
.Lfunc_end0:
.L_simem_size_0:
called_computation_lowered:
.L_overlay_start_0:
0x88: {  	s2 =	sld [smem:$0x3FD9]  }
0x89: {  	s3 =	sld [smem:$0x3FFE];
	_ =	sdelay $0x1  }
0x8a: {  	s1 =	srdreg.scid  }
0x8b: {  	s0 =	sand.u32 $0x1, s1  }
0x8c: {  	s17 =	sshll.u32 s0, $0xA;
	s2 =	sadd.s32 s3, s2  }
0x8d: {  	s2 =	sadd.s32 s2, s17  }
0x8e: {  	[smem:$0x3FC5] =	sst s2  }
0x8f: {  	_ = 	snop  }
0x90: {  	s2 =	sld [smem:$0x3FC9]  }
0x91: {  	s18 =	sld [smem:$0x3FC8]  }
0x92: {  	s4 =	sld [smem:$0x3FD0];
	(tm) =	ssettm $0x1  }
0x93: {  	s5 =	sld [smem:$0x3FFB];
	_ =	sdelay $0x3  }
0x94: {  	_ =	strace s5  }
0x95: {  	s5 =	sld [smem:$0x3FFC];
	_ =	sdelay $0x3  }
0x96: {  	_ =	strace s5  }
0x97: {  	s5 =	sld [smem:$0x3FFD];
	_ =	sdelay $0x3  }
0x98: {  	_ =	strace s5  }
0x99: {  	_ =	strace $0x8FFFFFFF  }
0x9a: {  	s19 =	sld [smem:$0x3FDB];
	_ =	sdelay $0x1  }
0x9b: {  	s6 =	simm.s32 $_scs_section_size  }
0x9c: {  	s7 =	simm.s32 $_size__tile_overlayer_lowered;
	s8 =	simm.s32 $_tile_overlayer_lowered  }
0x9d: {  	s22 =	simm.s32 $0x1BFF;
	s21 =	sshll.u32 s8, $0x1;
	s5 =	sadd.s32 s6, s19  }
0x9e: {  	s9 =	simm.s32 $0x0;
	s20 =	sshll.u32 s7, $0x1;
	s7 =	sadd.s32 s21, s5  }
0x9f: {  	[timem:s9], [sflag:s22] =	dma.local [hbm:s7], s20  }
0xa0: {  	_ =	swait.ge [sflag:s22], s20  }
0xa1: {  	s6 =	ssub.s32 $0x0, s20;
	[sflag:s22] =	ssyncset.done $0x0  }
0xa2: {  	[sflag:s22] =	ssyncadd.s32 s6;
	_ =	sdelay $0x1  }
0xa3: {  	s23 =	simm.s32 $0x1B8B  }
0xa4: {  	_ =	swait.ge [sflag:s23], $0x1  }
0xa5: {  	[sflag:s23] =	ssyncset.done $0x0  }
0xa6: {  	s25 =	simm.s32 $0x1B8E;
	s24 =	sld [smem:$0x3FFE];
	[sflag:s23] =	ssyncadd.s32 $0xFFFFFFFF  }
0xa7: {  	s26 =	simm.s32 $execute0_lowered;
	[smem:$0x3FD2] =	sst s25  }
0xa8: {  	s7 =	sshll.u32 s26, $0x1;
	_ =	strace $0x80000046;
	[dreg:$0x1] =	wrdreg $0xFFFFFFFF  }
0xa9: {  	s28 =	simm.s32 $_size_execute0_lowered;
	s5 =	sadd.s32 s5, s7;
	[dreg:$0x0] =	wrdreg $0x0  }
0xaa: {  	s7 =	sshll.u32 s28, $0x1;
	[dreg:$0x2] =	wrdreg s5  }
0xab: {  	[dreg:$0x3] =	wrdreg s7  }
0xac: {  	[dreg:$0x4] =	wrdreg $0xC0  }
0xad: {  	_ =	task [dreg:s9], $0x5FFFF  }
0xae: {  	[dreg:$0x1] =	wrdreg $0xFFFFFFFF  }
0xaf: {  	[dreg:$0x0] =	wrdreg $0x60  }
0xb0: {  	[dreg:$0x2] =	wrdreg s2  }
0xb1: {  	[dreg:$0x3] =	wrdreg s18  }
0xb2: {  	[dreg:$0x4] =	wrdreg s24  }
0xb3: {  	[dreg:$0x5] =	wrdreg s4  }
0xb4: {  	[dreg:$0x6] =	wrdreg $0x9  }
0xb5: {  	_ =	task.clear_ibuf [dreg:s9], $0x7FFFF;
	_ =	strace $0x90000046  }
0xb6: {  	s29 =	simm.s32 $0x9;
	_ =	strace $0x80000048  }
0xb7: {  	_ =	swait.ge [sflag:s29], $0x1  }
0xb8: {  	[sflag:s29] =	ssyncadd.s32 $0xFFFFFFFF  }
0xb9: {  	_ =	strace $0x90000048  }
0xba: {  	_ =	sfence  }
0xbb: {  	s30 =	sld [smem:$0x0];
	_ =	sdelay $0x2  }
0xbc: {  	s31 =	sshll.u32 s1, $0xD;
	s1 =	sshrl.u32 s1, $0x2  }
0xbd: {  	s3 =	sand.u32 $0x4000, s31;
	s1 =	sadd.s32 s1, s30  }
0xbe: {  	s0 =	sor.u32 s3, s0;
	s1 =	sshll.u32 s1, $0x11  }
0xbf: {  	s0 =	sor.u32 s1, s0  }
0xc0: {  	s0 =	sadd.s32 $0x8F2B, s0  }
0xc1: {  	[sflag:s0] =	ssyncadd.remote.s32 $0x1  }
0xc2: {  	_ =	sfence.sel $0xFFFF  }
0xc3: {  	[dreg:$0x0] =	wrdreg $0xFFFFFFFF;
	(pc) =	sbr.abs _section_cstart, $3  }
0xc4: {  	[dreg:$0x1] =	wrdreg $0xFFFFFFFF  }
0xc5: {  	_ =	task.clear_ibuf [dreg:s9], $0x2FFFF;
	_ =	strace $0x9FFFFFFF  }
0xc6: {  	(tm) =	ssettm $0x7FFFFFFF  }
0xc7: {  	_ =	shalt  }
tec
execute0_lowered:
.L_overlay_start_1:
0x0: {  	(tag) =	ssettag $0x1  }
0x1: {  	s0 =	rddreg [dreg:$0x0]  }
0x2: {  	s1 =	rddreg [dreg:$0x1]  }
0x3: {  	s11 =	rddreg [dreg:$0x2]  }
0x4: {  	s12 =	rddreg [dreg:$0x3];
	s3 =	srdreg.scid  }
0x5: {  	s2 =	simm.s32 $0x0;
	s4 =	stileid.u32;
	s17 =	simm.s32 $0x80  }
0x6: {  	s18 =	simm.s32 $0x100;
	s19 =	simm.s32 $0x180;
	s20 =	simm.s32 $0x800  }
0x7: {  	s21 =	simm.s32 $0x2;
	s22 =	simm.s32 $0x780;
	s23 =	simm.s32 $0x3  }
0x8: {  	s24 =	simm.s32 $0x1;
	s26 =	simm.s32 $0x4;
	s28 =	simm.s32 $0x0  }
0x9: {  	s5 =	sand.u32 $0x1, s3;
	[smem:$0x7FF] =	sst s2;
	s29 =	sshll.u32 s4, $0xA  }
0xa: {  	s4 =	sadd.s32 $0x400, s11;
	s10 =	sadd.s32 $0x1EC48, s11;
	s30 =	sshll.u32 s5, $0x9  }
0xb: {  	s11 =	sadd.s32 $0x3D490, s11;
	s6 =	ssub.s32 $0x2, s5;
	s3 =	sor.u32 s30, s29  }
0xc: {  	_ =	strace $0x80000047;
	s7 =	sshrl.u32 s6, $0x1;
	s13 =	sshrl.u32 s3, $0x3  }
0xd: {  	s8 =	smax.u32 s3, $0x10;
	s31 =	ssub.s32 s6, s7;
	s14 =	sor.u32 $0x80, s3  }
0xe: {  	s15 =	sor.u32 $0x100, s3;
	s16 =	sor.u32 $0x180, s3;
	s5 =	sadd.s32 s0, s13  }
0xf: {  	s25 =	sadd.s32 $0xFFFFFFF0, s8;
	s12 =	sadd.s32 s12, s13;
	s13 =	smax.u32 s31, $0x1  }
0x10: {  	v2 =	vlaneseq.u32;
	s6 =	sadd.s32 $0x10, s5;
	s7 =	sadd.s32 $0x20, s5;
	s9 =	sshrl.u32 s25, $0x3  }
0x11: {  	v1 =	vadd.s32 $0xFFFFFFFF, v2;
	v2 =	vadd.s32 $0xFFFFFFFE, v2;
	s8 =	sadd.s32 $0x30, s5;
	v0 =	vmov s25;
	s25 =	simm.s32 $0xA10;
	s9 =	sadd.s32 s1, s9  }
.LBB2_1:
0x12: {  	[tilespmem:s2], [sflag:$0x2] =	stream.linear.gather [hbm4b:s5+s2], $0x80, $0x38;
	[tilespmem:$0xC10] =	vst v63  }
0x13: {  	_ = 	snop  }
0x14: {  	[tilespmem:s17], [sflag:$0x2] =	stream.linear.gather [hbm4b:s6+s2], $0x80, $0x38;
	[tilespmem:$0xC10] =	vst v63  }
0x15: {  	_ = 	snop  }
0x16: {  	[tilespmem:s18], [sflag:$0x2] =	stream.linear.gather [hbm4b:s7+s2], $0x80, $0x38;
	[tilespmem:$0xC10] =	vst v63  }
0x17: {  	_ = 	snop  }
0x18: {  	[tilespmem:s19], [sflag:$0x2] =	stream.linear.gather [hbm4b:s8+s2], $0x80, $0x38;
	[tilespmem:$0xC10] =	vst v63  }
0x19: {  	_ = 	snop  }
0x1a: {  	[tilespmem:s20], [sflag:$0x3] =	stream.linear.gather [hbm4b:s9+s2], $0x210, $0x38;
	[tilespmem:$0xC10] =	vst v63  }
0x1b: {  	_ =	swait.ge [sflag:s21], $0x80  }
0x1c: {  	[sflag:s21] =	ssyncset.done $0x0  }
0x1d: {  	s0 =	simm.s32 $0x200;
	[sflag:s21] =	ssyncadd.s32 $0xFFFFFF80  }
0x1e: {  	[tilespmem:s0], [sflag:$0x1] =	stream.indirect.gather [hbm4b:s4+s17], $0x1, s2, s17, $0xb8;
	[tilespmem:$0xC10] =	vst v63  }
0x1f: {  	s1 =	simm.s32 $0x400  }
0x20: {  	[tilespmem:s1], [sflag:$0x1] =	stream.indirect.gather [hbm4b:s10+s17], $0x1, s2, s17, $0xb8;
	[tilespmem:$0xC10] =	vst v63  }
0x21: {  	s1 =	simm.s32 $0x600  }
0x22: {  	[tilespmem:s1], [sflag:$0x1] =	stream.indirect.gather [hbm4b:s11+s17], $0x1, s2, s17, $0xb8;
	[tilespmem:$0xC10] =	vst v63  }
0x23: {  	_ =	swait.ge [sflag:s21], $0x80  }
0x24: {  	[sflag:s21] =	ssyncset.done $0x0  }
0x25: {  	s1 =	simm.s32 $0x280;
	[sflag:s21] =	ssyncadd.s32 $0xFFFFFF80  }
0x26: {  	[tilespmem:s1], [sflag:$0x1] =	stream.indirect.gather [hbm4b:s4+s17], $0x1, s17, s17, $0xb8;
	[tilespmem:$0xC10] =	vst v63  }
0x27: {  	s1 =	simm.s32 $0x480  }
0x28: {  	[tilespmem:s1], [sflag:$0x1] =	stream.indirect.gather [hbm4b:s10+s17], $0x1, s17, s17, $0xb8;
	[tilespmem:$0xC10] =	vst v63  }
0x29: {  	s1 =	simm.s32 $0x680  }
0x2a: {  	[tilespmem:s1], [sflag:$0x1] =	stream.indirect.gather [hbm4b:s11+s17], $0x1, s17, s17, $0xb8;
	[tilespmem:$0xC10] =	vst v63  }
0x2b: {  	_ =	swait.ge [sflag:s21], $0x80  }
0x2c: {  	[sflag:s21] =	ssyncset.done $0x0  }
0x2d: {  	s1 =	simm.s32 $0x300;
	[sflag:s21] =	ssyncadd.s32 $0xFFFFFF80  }
0x2e: {  	[tilespmem:s1], [sflag:$0x1] =	stream.indirect.gather [hbm4b:s4+s17], $0x1, s18, s17, $0xb8;
	[tilespmem:$0xC10] =	vst v63  }
0x2f: {  	s1 =	simm.s32 $0x500  }
0x30: {  	[tilespmem:s1], [sflag:$0x1] =	stream.indirect.gather [hbm4b:s10+s17], $0x1, s18, s17, $0xb8;
	[tilespmem:$0xC10] =	vst v63  }
0x31: {  	s1 =	simm.s32 $0x700  }
0x32: {  	[tilespmem:s1], [sflag:$0x1] =	stream.indirect.gather [hbm4b:s11+s17], $0x1, s18, s17, $0xb8;
	[tilespmem:$0xC10] =	vst v63  }
0x33: {  	_ =	swait.ge [sflag:s21], $0x80  }
0x34: {  	[sflag:s21] =	ssyncset.done $0x0  }
0x35: {  	s1 =	simm.s32 $0x380;
	[sflag:s21] =	ssyncadd.s32 $0xFFFFFF80  }
0x36: {  	[tilespmem:s1], [sflag:$0x1] =	stream.indirect.gather [hbm4b:s4+s17], $0x1, s19, s17, $0xb8;
	[tilespmem:$0xC10] =	vst v63  }
0x37: {  	s1 =	simm.s32 $0x580  }
0x38: {  	[tilespmem:s1], [sflag:$0x1] =	stream.indirect.gather [hbm4b:s10+s17], $0x1, s19, s17, $0xb8;
	[tilespmem:$0xC10] =	vst v63  }
0x39: {  	_ = 	snop  }
0x3a: {  	[tilespmem:s22], [sflag:$0x1] =	stream.indirect.gather [hbm4b:s11+s17], $0x1, s19, s17, $0xb8;
	[tilespmem:$0xC10] =	vst v63  }
0x3b: {  	_ =	swait.ge [sflag:s23], $0x210  }
0x3c: {  	[sflag:s23] =	ssyncset.done $0x0  }
0x3d: {  	[sflag:s23] =	ssyncadd.s32 $0xFFFFFDF0  }
0x3e: {  	_ =	swait.ge [sflag:s24], $0x80  }
0x3f: {  	[sflag:s24] =	ssyncset.done $0x0  }
0x40: {  	v3 =	vadd.s32 s3, v1;
	[sflag:s24] =	ssyncadd.s32 $0xFFFFFF80  }
0x41: {  	v4 =	vadd.s32 s3, v2;
	vm0 =	vgt.s32 v3, $0x0;
	_ =	swait.ge [sflag:s24], $0x80  }
0x42: {  	v3 =	vnsel vm0, $0x0, v3;
	vm0 =	vgt.s32 v4, $0x0;
	[sflag:s24] =	ssyncset.done $0x0  }
0x43: {  	v3 =	vsub.s32 v3, v0;
	v4 =	vnsel vm0, $0x0, v4;
	[sflag:s24] =	ssyncadd.s32 $0xFFFFFF80  }
0x44: {  	v4 =	vsub.s32 v4, v0;
	_ =	swait.ge [sflag:s24], $0x80  }
0x45: {  	[sflag:s24] =	ssyncset.done $0x0  }
0x46: {  	s29 =	simm.s32 $0x0;
	[sflag:s24] =	ssyncadd.s32 $0xFFFFFF80  }
0x47: {  	v6 =	vld [tilespmem:s29+$0x200]  }
0x48: {  	v7 =	vld.idx.msk [tilespmem:v3+s20+$0x0], $0xffff  }
0x49: {  	v8 =	vld.idx.msk [tilespmem:v4+s20+$0x0], $0xffff  }
0x4a: {  	v9 =	vld [tilespmem:s29+$0x400];
	_ =	sdelay $0x1  }
0x4b: {  	s31 =	sadd.s32 $0x10, s3  }
0x4c: {  	v5 =	vadd.s32 s31, v1  }
0x4d: {  	vm0 =	vgt.s32 v5, $0x0;
	v3 =	vld [tilespmem:s29+$0x600]  }
0x4e: {  	s30 =	simm.s32 $0x40;
	s0 =	simm.s32 $0x80;
	v4 =	vadd.s32 s31, v2;
	v6 =	vmul.f32 v6, v7;
	v7 =	vmul.f32 v9, v8  }
.LBB2_2:
0x4f: {  	p0 =	sne.s32 s0, $0x1C0;
	v5 =	vnsel vm0, $0x0, v5;
	vm0 =	vgt.s32 v4, $0x0  }
0x50: {  	v5 =	vsub.s32 v5, v0;
	v4 =	vnsel vm0, $0x0, v4;
	v6 =	vadd.f32 v7, v6  }
0x51: {  	v4 =	vsub.s32 v4, v0  }
0x52: {  	v3 =	vadd.f32 v6, v3  }
0x53: {  	s1 =	sshra.s32 s30, $0x2;
	s30 =	smov.u32 s0  }
0x54: {  	v6 =	vld [tilespmem:s1+$0x200];
	[tilespmem:s29+$0xA10] =	vst v3;
	s29 =	smov.u32 s1  }
0x55: {  	v7 =	vld.idx.msk [tilespmem:v5+s20+$0x0], $0xffff  }
0x56: {  	v8 =	vld.idx.msk [tilespmem:v4+s20+$0x0], $0xffff  }
0x57: {  	v9 =	vld [tilespmem:s29+$0x400]  }
.Ltmp0:
0x58: {  	(pc) =	sbr.rel @p0 .LBB2_2-.Ltmp0, $4  }
0x59: {  	_ = 	snop  }
0x5a: {  	s31 =	sadd.s32 $0x10, s31  }
0x5b: {  	v5 =	vadd.s32 s31, v1;
	v4 =	vadd.s32 s31, v2;
	v3 =	vld [tilespmem:s29+$0x600]  }
0x5c: {  	s0 =	sadd.s32 $0x40, s0;
	vm0 =	vgt.s32 v5, $0x0;
	v6 =	vmul.f32 v6, v7;
	v7 =	vmul.f32 v9, v8  }
0x5d: {  	v5 =	vnsel vm0, $0x0, v5  }
0x5e: {  	vm0 =	vgt.s32 v4, $0x0;
	v5 =	vsub.s32 v5, v0;
	v6 =	vadd.f32 v7, v6  }
0x5f: {  	v4 =	vnsel vm0, $0x0, v4  }
0x60: {  	v4 =	vsub.s32 v4, v0;
	v3 =	vadd.f32 v6, v3  }
0x61: {  	s0 =	sshra.s32 s30, $0x2  }
0x62: {  	v6 =	vld [tilespmem:s0+$0x200];
	[tilespmem:s29+$0xA10] =	vst v3  }
0x63: {  	v3 =	vld.idx.msk [tilespmem:v5+s20+$0x0], $0xffff  }
0x64: {  	v5 =	vld [tilespmem:s0+$0x400]  }
0x65: {  	v4 =	vld.idx.msk [tilespmem:v4+s20+$0x0], $0xffff;
	_ =	sdelay $0x3  }
0x66: {  	v7 =	vld [tilespmem:s0+$0x600]  }
0x67: {  	v3 =	vmul.f32 v6, v3;
	v4 =	vmul.f32 v5, v4;
	_ =	sdelay $0x1  }
0x68: {  	v3 =	vadd.f32 v4, v3;
	_ =	sdelay $0x1  }
0x69: {  	v3 =	vadd.f32 v3, v7;
	_ =	sdelay $0x1  }
0x6a: {  	[tilespmem:s0+$0xA10] =	vst v3  }
0x6b: {  	_ =	swait.ge [sflag:s24], $0x80  }
0x6c: {  	[sflag:s24] =	ssyncset.done $0x0  }
0x6d: {  	v3 =	vadd.s32 s14, v1;
	[sflag:s24] =	ssyncadd.s32 $0xFFFFFF80  }
0x6e: {  	v4 =	vadd.s32 s14, v2;
	vm0 =	vgt.s32 v3, $0x0;
	_ =	swait.ge [sflag:s24], $0x80  }
0x6f: {  	v3 =	vnsel vm0, $0x0, v3;
	vm0 =	vgt.s32 v4, $0x0;
	[sflag:s24] =	ssyncset.done $0x0  }
0x70: {  	v3 =	vsub.s32 v3, v0;
	v4 =	vnsel vm0, $0x0, v4;
	[sflag:s24] =	ssyncadd.s32 $0xFFFFFF80  }
0x71: {  	v4 =	vsub.s32 v4, v0;
	_ =	swait.ge [sflag:s24], $0x80  }
0x72: {  	[sflag:s24] =	ssyncset.done $0x0  }
0x73: {  	s29 =	simm.s32 $0x0;
	[sflag:s24] =	ssyncadd.s32 $0xFFFFFF80  }
0x74: {  	v6 =	vld [tilespmem:s29+$0x280]  }
0x75: {  	v7 =	vld.idx.msk [tilespmem:v3+s20+$0x0], $0xffff  }
0x76: {  	v8 =	vld.idx.msk [tilespmem:v4+s20+$0x0], $0xffff  }
0x77: {  	v9 =	vld [tilespmem:s29+$0x480];
	_ =	sdelay $0x1  }
0x78: {  	s31 =	sadd.s32 $0x10, s14  }
0x79: {  	v5 =	vadd.s32 s31, v1  }
0x7a: {  	vm0 =	vgt.s32 v5, $0x0;
	v3 =	vld [tilespmem:s29+$0x680]  }
0x7b: {  	s30 =	simm.s32 $0x40;
	s0 =	simm.s32 $0x80;
	v4 =	vadd.s32 s31, v2;
	v6 =	vmul.f32 v6, v7;
	v7 =	vmul.f32 v9, v8  }
.LBB2_4:
0x7c: {  	p0 =	sne.s32 s0, $0x1C0;
	v5 =	vnsel vm0, $0x0, v5;
	vm0 =	vgt.s32 v4, $0x0  }
0x7d: {  	v5 =	vsub.s32 v5, v0;
	v4 =	vnsel vm0, $0x0, v4;
	v6 =	vadd.f32 v7, v6  }
0x7e: {  	v4 =	vsub.s32 v4, v0  }
0x7f: {  	v3 =	vadd.f32 v6, v3  }
0x80: {  	s1 =	sshra.s32 s30, $0x2;
	s30 =	smov.u32 s0  }
0x81: {  	v6 =	vld [tilespmem:s1+$0x280];
	[tilespmem:s29+$0xA90] =	vst v3;
	s29 =	smov.u32 s1  }
0x82: {  	v7 =	vld.idx.msk [tilespmem:v5+s20+$0x0], $0xffff  }
0x83: {  	v8 =	vld.idx.msk [tilespmem:v4+s20+$0x0], $0xffff  }
0x84: {  	v9 =	vld [tilespmem:s29+$0x480]  }
.Ltmp1:
0x85: {  	(pc) =	sbr.rel @p0 .LBB2_4-.Ltmp1, $4  }
0x86: {  	_ = 	snop  }
0x87: {  	s31 =	sadd.s32 $0x10, s31  }
0x88: {  	v5 =	vadd.s32 s31, v1;
	v4 =	vadd.s32 s31, v2;
	v3 =	vld [tilespmem:s29+$0x680]  }
0x89: {  	s0 =	sadd.s32 $0x40, s0;
	vm0 =	vgt.s32 v5, $0x0;
	v6 =	vmul.f32 v6, v7;
	v7 =	vmul.f32 v9, v8  }
0x8a: {  	v5 =	vnsel vm0, $0x0, v5  }
0x8b: {  	vm0 =	vgt.s32 v4, $0x0;
	v5 =	vsub.s32 v5, v0;
	v6 =	vadd.f32 v7, v6  }
0x8c: {  	v4 =	vnsel vm0, $0x0, v4  }
0x8d: {  	v4 =	vsub.s32 v4, v0;
	v3 =	vadd.f32 v6, v3  }
0x8e: {  	s0 =	sshra.s32 s30, $0x2  }
0x8f: {  	v6 =	vld [tilespmem:s0+$0x280];
	[tilespmem:s29+$0xA90] =	vst v3  }
0x90: {  	v3 =	vld.idx.msk [tilespmem:v5+s20+$0x0], $0xffff  }
0x91: {  	v5 =	vld [tilespmem:s0+$0x480]  }
0x92: {  	v4 =	vld.idx.msk [tilespmem:v4+s20+$0x0], $0xffff;
	_ =	sdelay $0x3  }
0x93: {  	v7 =	vld [tilespmem:s0+$0x680]  }
0x94: {  	v3 =	vmul.f32 v6, v3;
	v4 =	vmul.f32 v5, v4;
	_ =	sdelay $0x1  }
0x95: {  	v3 =	vadd.f32 v4, v3;
	_ =	sdelay $0x1  }
0x96: {  	v3 =	vadd.f32 v3, v7;
	_ =	sdelay $0x1  }
0x97: {  	[tilespmem:s0+$0xA90] =	vst v3  }
0x98: {  	_ =	swait.ge [sflag:s24], $0x80  }
0x99: {  	[sflag:s24] =	ssyncset.done $0x0  }
0x9a: {  	v3 =	vadd.s32 s15, v1;
	[sflag:s24] =	ssyncadd.s32 $0xFFFFFF80  }
0x9b: {  	v4 =	vadd.s32 s15, v2;
	vm0 =	vgt.s32 v3, $0x0;
	_ =	swait.ge [sflag:s24], $0x80  }
0x9c: {  	v3 =	vnsel vm0, $0x0, v3;
	vm0 =	vgt.s32 v4, $0x0;
	[sflag:s24] =	ssyncset.done $0x0  }
0x9d: {  	v3 =	vsub.s32 v3, v0;
	v4 =	vnsel vm0, $0x0, v4;
	[sflag:s24] =	ssyncadd.s32 $0xFFFFFF80  }
0x9e: {  	v4 =	vsub.s32 v4, v0;
	_ =	swait.ge [sflag:s24], $0x80  }
0x9f: {  	[sflag:s24] =	ssyncset.done $0x0  }
0xa0: {  	s29 =	simm.s32 $0x0;
	[sflag:s24] =	ssyncadd.s32 $0xFFFFFF80  }
0xa1: {  	v6 =	vld [tilespmem:s29+$0x300]  }
0xa2: {  	v7 =	vld.idx.msk [tilespmem:v3+s20+$0x0], $0xffff  }
0xa3: {  	v8 =	vld.idx.msk [tilespmem:v4+s20+$0x0], $0xffff  }
0xa4: {  	v9 =	vld [tilespmem:s29+$0x500];
	_ =	sdelay $0x1  }
0xa5: {  	s31 =	sadd.s32 $0x10, s15  }
0xa6: {  	v5 =	vadd.s32 s31, v1  }
0xa7: {  	vm0 =	vgt.s32 v5, $0x0;
	v3 =	vld [tilespmem:s29+$0x700]  }
0xa8: {  	s30 =	simm.s32 $0x40;
	s0 =	simm.s32 $0x80;
	v4 =	vadd.s32 s31, v2;
	v6 =	vmul.f32 v6, v7;
	v7 =	vmul.f32 v9, v8  }
.LBB2_6:
0xa9: {  	p0 =	sne.s32 s0, $0x1C0;
	v5 =	vnsel vm0, $0x0, v5;
	vm0 =	vgt.s32 v4, $0x0  }
0xaa: {  	v5 =	vsub.s32 v5, v0;
	v4 =	vnsel vm0, $0x0, v4;
	v6 =	vadd.f32 v7, v6  }
0xab: {  	v4 =	vsub.s32 v4, v0  }
0xac: {  	v3 =	vadd.f32 v6, v3  }
0xad: {  	s1 =	sshra.s32 s30, $0x2;
	s30 =	smov.u32 s0  }
0xae: {  	v6 =	vld [tilespmem:s1+$0x300];
	[tilespmem:s29+$0xB10] =	vst v3;
	s29 =	smov.u32 s1  }
0xaf: {  	v7 =	vld.idx.msk [tilespmem:v5+s20+$0x0], $0xffff  }
0xb0: {  	v8 =	vld.idx.msk [tilespmem:v4+s20+$0x0], $0xffff  }
0xb1: {  	v9 =	vld [tilespmem:s29+$0x500]  }
.Ltmp2:
0xb2: {  	(pc) =	sbr.rel @p0 .LBB2_6-.Ltmp2, $4  }
0xb3: {  	_ = 	snop  }
0xb4: {  	s31 =	sadd.s32 $0x10, s31  }
0xb5: {  	v5 =	vadd.s32 s31, v1;
	v4 =	vadd.s32 s31, v2;
	v3 =	vld [tilespmem:s29+$0x700]  }
0xb6: {  	s0 =	sadd.s32 $0x40, s0;
	vm0 =	vgt.s32 v5, $0x0;
	v6 =	vmul.f32 v6, v7;
	v7 =	vmul.f32 v9, v8  }
0xb7: {  	v5 =	vnsel vm0, $0x0, v5  }
0xb8: {  	vm0 =	vgt.s32 v4, $0x0;
	v5 =	vsub.s32 v5, v0;
	v6 =	vadd.f32 v7, v6  }
0xb9: {  	v4 =	vnsel vm0, $0x0, v4  }
0xba: {  	v4 =	vsub.s32 v4, v0;
	v3 =	vadd.f32 v6, v3  }
0xbb: {  	s0 =	sshra.s32 s30, $0x2  }
0xbc: {  	v6 =	vld [tilespmem:s0+$0x300];
	[tilespmem:s29+$0xB10] =	vst v3  }
0xbd: {  	v3 =	vld.idx.msk [tilespmem:v5+s20+$0x0], $0xffff  }
0xbe: {  	v5 =	vld [tilespmem:s0+$0x500]  }
0xbf: {  	v4 =	vld.idx.msk [tilespmem:v4+s20+$0x0], $0xffff;
	_ =	sdelay $0x3  }
0xc0: {  	v7 =	vld [tilespmem:s0+$0x700]  }
0xc1: {  	v3 =	vmul.f32 v6, v3;
	v4 =	vmul.f32 v5, v4;
	_ =	sdelay $0x1  }
0xc2: {  	v3 =	vadd.f32 v4, v3;
	_ =	sdelay $0x1  }
0xc3: {  	v3 =	vadd.f32 v3, v7;
	_ =	sdelay $0x1  }
0xc4: {  	[tilespmem:s0+$0xB10] =	vst v3  }
0xc5: {  	_ =	swait.ge [sflag:s24], $0x80  }
0xc6: {  	[sflag:s24] =	ssyncset.done $0x0  }
0xc7: {  	v3 =	vadd.s32 s16, v1;
	[sflag:s24] =	ssyncadd.s32 $0xFFFFFF80  }
0xc8: {  	v4 =	vadd.s32 s16, v2;
	vm0 =	vgt.s32 v3, $0x0;
	_ =	swait.ge [sflag:s24], $0x80  }
0xc9: {  	v3 =	vnsel vm0, $0x0, v3;
	vm0 =	vgt.s32 v4, $0x0;
	[sflag:s24] =	ssyncset.done $0x0  }
0xca: {  	v3 =	vsub.s32 v3, v0;
	v4 =	vnsel vm0, $0x0, v4;
	[sflag:s24] =	ssyncadd.s32 $0xFFFFFF80  }
0xcb: {  	v4 =	vsub.s32 v4, v0;
	_ =	swait.ge [sflag:s24], $0x80  }
0xcc: {  	[sflag:s24] =	ssyncset.done $0x0  }
0xcd: {  	s29 =	simm.s32 $0x0;
	[sflag:s24] =	ssyncadd.s32 $0xFFFFFF80  }
0xce: {  	v6 =	vld [tilespmem:s29+$0x380]  }
0xcf: {  	v7 =	vld.idx.msk [tilespmem:v3+s20+$0x0], $0xffff  }
0xd0: {  	v8 =	vld.idx.msk [tilespmem:v4+s20+$0x0], $0xffff  }
0xd1: {  	v9 =	vld [tilespmem:s29+$0x580];
	_ =	sdelay $0x1  }
0xd2: {  	s31 =	sadd.s32 $0x10, s16  }
0xd3: {  	v5 =	vadd.s32 s31, v1  }
0xd4: {  	vm0 =	vgt.s32 v5, $0x0;
	v3 =	vld [tilespmem:s29+$0x780]  }
0xd5: {  	s30 =	simm.s32 $0x40;
	s0 =	simm.s32 $0x80;
	v4 =	vadd.s32 s31, v2;
	v6 =	vmul.f32 v6, v7;
	v7 =	vmul.f32 v9, v8  }
.LBB2_8:
0xd6: {  	p0 =	sne.s32 s0, $0x1C0;
	v5 =	vnsel vm0, $0x0, v5;
	vm0 =	vgt.s32 v4, $0x0  }
0xd7: {  	v5 =	vsub.s32 v5, v0;
	v4 =	vnsel vm0, $0x0, v4;
	v6 =	vadd.f32 v7, v6  }
0xd8: {  	v4 =	vsub.s32 v4, v0  }
0xd9: {  	v3 =	vadd.f32 v6, v3  }
0xda: {  	s1 =	sshra.s32 s30, $0x2;
	s30 =	smov.u32 s0  }
0xdb: {  	v6 =	vld [tilespmem:s1+$0x380];
	[tilespmem:s29+$0xB90] =	vst v3;
	s29 =	smov.u32 s1  }
0xdc: {  	v7 =	vld.idx.msk [tilespmem:v5+s20+$0x0], $0xffff  }
0xdd: {  	v8 =	vld.idx.msk [tilespmem:v4+s20+$0x0], $0xffff  }
0xde: {  	v9 =	vld [tilespmem:s29+$0x580]  }
.Ltmp3:
0xdf: {  	(pc) =	sbr.rel @p0 .LBB2_8-.Ltmp3, $4  }
0xe0: {  	_ = 	snop  }
0xe1: {  	s31 =	sadd.s32 $0x10, s31  }
0xe2: {  	v5 =	vadd.s32 s31, v1;
	v4 =	vadd.s32 s31, v2;
	v3 =	vld [tilespmem:s29+$0x780]  }
0xe3: {  	s0 =	sadd.s32 $0x40, s0;
	vm0 =	vgt.s32 v5, $0x0;
	v6 =	vmul.f32 v6, v7;
	v7 =	vmul.f32 v9, v8  }
0xe4: {  	v5 =	vnsel vm0, $0x0, v5  }
0xe5: {  	vm15 =	vgt.s32 v4, $0x0;
	v5 =	vsub.s32 v5, v0;
	v6 =	vadd.f32 v7, v6  }
0xe6: {  	v4 =	vnsel vm15, $0x0, v4  }
0xe7: {  	v4 =	vsub.s32 v4, v0;
	v3 =	vadd.f32 v6, v3  }
0xe8: {  	s0 =	sshra.s32 s30, $0x2  }
0xe9: {  	v61 =	vld [tilespmem:s0+$0x380];
	[tilespmem:s29+$0xB90] =	vst v3  }
0xea: {  	v3 =	vld.idx.msk [tilespmem:v5+s20+$0x0], $0xffff  }
0xeb: {  	v62 =	vld [tilespmem:s0+$0x580]  }
0xec: {  	v4 =	vld.idx.msk [tilespmem:v4+s20+$0x0], $0xffff;
	_ =	sdelay $0x3  }
0xed: {  	v63 =	vld [tilespmem:s0+$0x780]  }
0xee: {  	v3 =	vmul.f32 v61, v3;
	v4 =	vmul.f32 v62, v4;
	_ =	sdelay $0x1  }
0xef: {  	v3 =	vadd.f32 v4, v3;
	_ =	sdelay $0x1  }
0xf0: {  	s28 =	sadd.s32 $0x1, s28;
	v3 =	vadd.f32 v3, v63  }
0xf1: {  	p0 =	sne.s32 s28, s13  }
.Ltmp4:
0xf2: {  	[tilespmem:s0+$0xB90] =	vst v3;
	(pc) =	sbr.rel @p0 .LBB2_1-.Ltmp4, $4  }
0xf3: {  	[hbm4b:s12+s2] =	stream.linear.scatter [tilespmem:s25], [sflag:$0x4], $0x200, $0x38;
	[tilespmem:$0xC10] =	vst v63  }
0xf4: {  	_ =	swait.ge [sflag:s26], $0x200  }
0xf5: {  	[sflag:s26] =	ssyncset.done $0x0  }
0xf6: {  	[sflag:s26] =	ssyncadd.s32 $0xFFFFFE00  }
0xf7: {  	_ =	sfence.sel $0x180000  }
0xf8: {  	[bflag:$0x0] =	sbarrier.arrive $0xFFFF  }
0xf9: {  	_ =	strace $0x90000047  }
0xfa: {  	s0 =	stileid.u32;
	[bflag:$0x2] =	sbarrier.arrive $0xFFFF  }
0xfb: {  	p0 =	sne.s32 s0, $0x0;
	s0 =	rddreg [dreg:$0x4]  }
0xfc: {  	s0 =	sadd.s32 @!p0 $0x100000, s0  }
0xfd: {  	[sflag:s0] =	ssyncadd.tile.s32 @!p0 $0x1;
	_ =	shalt  }
.Lfunc_end2:
_tile_overlayer_lowered:
.L_overlay_start_2:
0xfe: {  	(tag) =	ssettag $0x2  }
0xff: {  	s0 =	rddreg [dreg:$0x0];
	s2 =	stileid.u32  }
0x100: {  	s1 =	rddreg [dreg:$0x1];
	p0 =	sne.s32 s2, $0x0  }
0x101: {  	s3 =	rddreg [dreg:$0x2];
	[bflag:$0x3] =	sbarrier.arrive $0xFFFF;
	s2 =	simm.s32 @!p0 $0x1C04  }
0x102: {  	[timem:s3], [sflag:s2] =	dma.local @!p0 [hbm:s0], s1  }
0x103: {  	s0 =	simm.s32 @!p0 $0x4  }
0x104: {  	_ =	swait.ge @!p0 [sflag:s0], s1  }
0x105: {  	s1 =	ssub.s32 @!p0 $0x0, s1;
	[sflag:s0] =	ssyncset.done @!p0 $0x0  }
0x106: {  	[sflag:s0] =	ssyncadd.s32 @!p0 s1  }
0x107: {  	[bflag:$0x3] =	sbarrier.arrive $0xFFFF  }
0x108: {  	_ =	shalt  }

</sc_bundles>
